<compile_context>
chip_gen: v7x
topology: tpu7x:2x2x1
jax: 0.10.2.dev20260603
libtpu: 0.0.44.dev20260713+nightly
codegen_flags: <defaults>
</compile_context>

<pallas_src>
import functools

import jax
import jax.numpy as jnp
from jax import lax
from jax.experimental import pallas as pl
from jax.experimental.pallas import tpu as pltpu
from jax.experimental.pallas import tpu_sc as plsc

_L = 16


def _make_pe_add(B, T, D):
    info = plsc.get_sparse_core_info()
    NC, NS = info.num_cores, info.num_subcores
    NW = NC * NS
    TW = T // NW
    CH = 8
    NCH = TW // CH
    NBLK = D // _L
    R = 4

    mesh = plsc.VectorSubcoreMesh(core_axis_name="c", subcore_axis_name="s")

    @functools.partial(
        pl.kernel,
        out_type=jax.ShapeDtypeStruct((B, T, D), jnp.float32),
        mesh=mesh,
        scratch_types=(
            [pltpu.VMEM((CH, D), jnp.float32)] * (2 * R + 2)
            + [pltpu.SemaphoreType.DMA] * (2 * R + 2)
        ),
    )
    def pe_add(x_hbm, pe_hbm, out_hbm, *bufs):
        ins = bufs[0:R]
        outs = bufs[R:2 * R]
        pes = bufs[2 * R:2 * R + 2]
        isems = bufs[2 * R + 2:3 * R + 2]
        osems = bufs[3 * R + 2:4 * R + 2]
        psems = bufs[4 * R + 2:4 * R + 4]

        wid = lax.axis_index("s") * NC + lax.axis_index("c")
        t_base = wid * TW

        def x_copy(c, b, s):
            return pltpu.make_async_copy(
                x_hbm.at[b, pl.ds(t_base + c * CH, CH), :], ins[s], isems[s])

        def pe_copy(c, half):
            return pltpu.make_async_copy(
                pe_hbm.at[pl.ds(t_base + c * CH, CH), :], pes[half],
                psems[half])

        def out_copy(c, b, s):
            return pltpu.make_async_copy(
                outs[s], out_hbm.at[b, pl.ds(t_base + c * CH, CH), :],
                osems[s])

        pe_copy(0, 0).start()
        pe_copy(1, 1).start()
        for j in range(R):
            x_copy(0, j, j).start()

        def pair_body(g, carry):
            for j in range(2 * B):
                c = 2 * g + j // B
                b = j % B
                s = j % R
                half = j // B
                ib, ob, pb = ins[s], outs[s], pes[half]
                x_copy(c, b, s).wait()
                if b == 0:
                    pe_copy(c, half).wait()
                if j >= R:
                    out_copy(c, b, s).wait()
                else:
                    @pl.when(g > 0)
                    def _():
                        out_copy(c, b, s).wait()

                @plsc.parallel_loop(0, CH * NBLK, unroll=4)
                def _(i):
                    r = i // NBLK
                    sl = pl.ds((i % NBLK) * _L, _L)
                    ob[r, sl] = ib[r, sl] + pb[r, sl]
                out_copy(c, b, s).start()
                if j + R < 2 * B:
                    x_copy(c + 1, b, s).start()
                else:
                    @pl.when(g + 1 < NCH // 2)
                    def _():
                        x_copy(c + 1, b, s).start()
                if b == B - 1:
                    @pl.when(c + 2 < NCH)
                    def _():
                        pe_copy(c + 2, half).start()
            return carry

        lax.fori_loop(0, NCH // 2, pair_body, 0)

        for j in range(R):
            out_copy(NCH - 1, j, j).wait()

    return pe_add


def kernel(x, posem):
    B, T, D = x.shape
    pe_add = _make_pe_add(B, T, D)
    return pe_add(x, posem)

# --- scband reference (transcript-rebuilt; emitter-appended) ---
"""Pipeline reference for scband-positional-embedding-43748536877492 (READ-ONLY COPY).

The authoritative reference and input builder live on the scoring server;
editing this copy changes nothing except your own understanding.
"""

import jax, jax.numpy as jnp
import numpy as np

B, T, D = 4, 4096, 1024
CONTEXT = 4096

def setup_inputs(seed: int = 0) -> dict:
    key = jax.random.key(seed)
    kx, kw = jax.random.split(key)
    x = jax.random.normal(kx, (B, T, D), dtype=jnp.float32)
    posem = jax.random.normal(kw, (CONTEXT, D), dtype=jnp.float32) * 0.02
    return {"x": x, "posem": posem}

def reference(x, posem):
    T_ = x.shape[1]
    pos = jnp.arange(0, T_)[None, :]  # [1, T]
    pe = jnp.take(posem, pos, axis=0)  # [1, T, D]
    return x + pe

if __name__ == "__main__":
    import jax
    _d = setup_inputs()
    print(jax.jit(kernel)(*tuple(_d.values())))

</pallas_src>

<mosaic_0001>
#map = affine_map<(d0, d1) -> (0, 0, 0)>
#map1 = affine_map<(d0, d1) -> (0, 0)>
module attributes {stable_mosaic.version = 14 : i64} {
  func.func @pe_add(%arg0: i32, %arg1: i32, %arg2: memref<4x4096x1024xf32, #tpu.memory_space<hbm>>, %arg3: memref<4096x1024xf32, #tpu.memory_space<hbm>>, %arg4: memref<4x4096x1024xf32, #tpu.memory_space<hbm>>, %arg5: memref<8x1024xf32, #tpu.memory_space<vmem>>, %arg6: memref<8x1024xf32, #tpu.memory_space<vmem>>, %arg7: memref<8x1024xf32, #tpu.memory_space<vmem>>, %arg8: memref<8x1024xf32, #tpu.memory_space<vmem>>, %arg9: memref<8x1024xf32, #tpu.memory_space<vmem>>, %arg10: memref<8x1024xf32, #tpu.memory_space<vmem>>, %arg11: memref<8x1024xf32, #tpu.memory_space<vmem>>, %arg12: memref<8x1024xf32, #tpu.memory_space<vmem>>, %arg13: memref<8x1024xf32, #tpu.memory_space<vmem>>, %arg14: memref<8x1024xf32, #tpu.memory_space<vmem>>, %arg15: memref<!tpu.dma_semaphore, #tpu.memory_space<semaphore_mem>>, %arg16: memref<!tpu.dma_semaphore, #tpu.memory_space<semaphore_mem>>, %arg17: memref<!tpu.dma_semaphore, #tpu.memory_space<semaphore_mem>>, %arg18: memref<!tpu.dma_semaphore, #tpu.memory_space<semaphore_mem>>, %arg19: memref<!tpu.dma_semaphore, #tpu.memory_space<semaphore_mem>>, %arg20: memref<!tpu.dma_semaphore, #tpu.memory_space<semaphore_mem>>, %arg21: memref<!tpu.dma_semaphore, #tpu.memory_space<semaphore_mem>>, %arg22: memref<!tpu.dma_semaphore, #tpu.memory_space<semaphore_mem>>, %arg23: memref<!tpu.dma_semaphore, #tpu.memory_space<semaphore_mem>>, %arg24: memref<!tpu.dma_semaphore, #tpu.memory_space<semaphore_mem>>) attributes {dimension_semantics = [#tpu.dimension_semantics<core_parallel>, #tpu.dimension_semantics<subcore_parallel>], iteration_bounds = array<i64: 2, 16>, scalar_prefetch = 0 : i64, scratch_operands = 20 : i64, tpu.core_type = #tpu.core_type<sc_vector_subcore>, window_params = [{transform_indices = #map}, {transform_indices = #map1}, {transform_indices = #map}]} {
    %mul3A = arith.constant 2 : i32
    %mul3A_0 = arith.muli %arg1, %mul3A : i32
    %add3A = arith.addi %mul3A_0, %arg0 : i32
    %mul3A_1 = arith.constant 128 : i32
    %mul3A_2 = arith.muli %add3A, %mul3A_1 : i32
    %add3A_3 = arith.constant 0 : i32
    %add3A_4 = arith.addi %mul3A_2, %add3A_3 : i32
    %dma_start3A = arith.constant 0 : i32
    %dma_start3A_5 = tpu.memref_slice %arg3[%add3A_4, %dma_start3A] : memref<4096x1024xf32, #tpu.memory_space<hbm>> -> memref<8x1024xf32, #tpu.memory_space<hbm>>
    %dma_start3A_6 = arith.constant 0 : i32
    %dma_start3A_7 = tpu.memref_slice %arg3[%add3A_4, %dma_start3A_6] : memref<4096x1024xf32, #tpu.memory_space<hbm>> -> memref<8x1024xf32, #tpu.memory_space<hbm>>
    tpu.enqueue_dma source(%dma_start3A_7 : memref<8x1024xf32, #tpu.memory_space<hbm>>) target(%arg13 : memref<8x1024xf32, #tpu.memory_space<vmem>>) target_semaphore(%arg23 : memref<!tpu.dma_semaphore, #tpu.memory_space<semaphore_mem>>)
    %add3A_8 = arith.constant 8 : i32
    %add3A_9 = arith.addi %mul3A_2, %add3A_8 : i32
    %dma_start3A_10 = arith.constant 0 : i32
    %dma_start3A_11 = tpu.memref_slice %arg3[%add3A_9, %dma_start3A_10] : memref<4096x1024xf32, #tpu.memory_space<hbm>> -> memref<8x1024xf32, #tpu.memory_space<hbm>>
    %dma_start3A_12 = arith.constant 0 : i32
    %dma_start3A_13 = tpu.memref_slice %arg3[%add3A_9, %dma_start3A_12] : memref<4096x1024xf32, #tpu.memory_space<hbm>> -> memref<8x1024xf32, #tpu.memory_space<hbm>>
    tpu.enqueue_dma source(%dma_start3A_13 : memref<8x1024xf32, #tpu.memory_space<hbm>>) target(%arg14 : memref<8x1024xf32, #tpu.memory_space<vmem>>) target_semaphore(%arg24 : memref<!tpu.dma_semaphore, #tpu.memory_space<semaphore_mem>>)
    %add3A_14 = arith.constant 0 : i32
    %add3A_15 = arith.addi %mul3A_2, %add3A_14 : i32
    %dma_start3A_16 = arith.constant 0 : i32
    %dma_start3A_17 = arith.constant 0 : i32
    %dma_start3A_18 = tpu.memref_slice %arg2[%dma_start3A_16, %add3A_15, %dma_start3A_17] : memref<4x4096x1024xf32, #tpu.memory_space<hbm>> -> memref<1x8x1024xf32, #tpu.memory_space<hbm>>
    %dma_start3A_19 = tpu.memref_squeeze %dma_start3A_18 : memref<1x8x1024xf32, #tpu.memory_space<hbm>> -> memref<8x1024xf32, #tpu.memory_space<hbm>>
    %dma_start3A_20 = arith.constant 0 : i32
    %dma_start3A_21 = tpu.memref_slice %arg2[%dma_start3A_16, %add3A_15, %dma_start3A_20] : memref<4x4096x1024xf32, #tpu.memory_space<hbm>> -> memref<1x8x1024xf32, #tpu.memory_space<hbm>>
    %dma_start3A_22 = tpu.memref_squeeze %dma_start3A_21 : memref<1x8x1024xf32, #tpu.memory_space<hbm>> -> memref<8x1024xf32, #tpu.memory_space<hbm>>
    tpu.enqueue_dma source(%dma_start3A_22 : memref<8x1024xf32, #tpu.memory_space<hbm>>) target(%arg5 : memref<8x1024xf32, #tpu.memory_space<vmem>>) target_semaphore(%arg15 : memref<!tpu.dma_semaphore, #tpu.memory_space<semaphore_mem>>)
    %add3A_23 = arith.constant 0 : i32
    %add3A_24 = arith.addi %mul3A_2, %add3A_23 : i32
    %dma_start3A_25 = arith.constant 1 : i32
    %dma_start3A_26 = arith.constant 0 : i32
    %dma_start3A_27 = tpu.memref_slice %arg2[%dma_start3A_25, %add3A_24, %dma_start3A_26] : memref<4x4096x1024xf32, #tpu.memory_space<hbm>> -> memref<1x8x1024xf32, #tpu.memory_space<hbm>>
    %dma_start3A_28 = tpu.memref_squeeze %dma_start3A_27 : memref<1x8x1024xf32, #tpu.memory_space<hbm>> -> memref<8x1024xf32, #tpu.memory_space<hbm>>
    %dma_start3A_29 = arith.constant 0 : i32
    %dma_start3A_30 = tpu.memref_slice %arg2[%dma_start3A_25, %add3A_24, %dma_start3A_29] : memref<4x4096x1024xf32, #tpu.memory_space<hbm>> -> memref<1x8x1024xf32, #tpu.memory_space<hbm>>
    %dma_start3A_31 = tpu.memref_squeeze %dma_start3A_30 : memref<1x8x1024xf32, #tpu.memory_space<hbm>> -> memref<8x1024xf32, #tpu.memory_space<hbm>>
    tpu.enqueue_dma source(%dma_start3A_31 : memref<8x1024xf32, #tpu.memory_space<hbm>>) target(%arg6 : memref<8x1024xf32, #tpu.memory_space<vmem>>) target_semaphore(%arg16 : memref<!tpu.dma_semaphore, #tpu.memory_space<semaphore_mem>>)
    %add3A_32 = arith.constant 0 : i32
    %add3A_33 = arith.addi %mul3A_2, %add3A_32 : i32
    %dma_start3A_34 = arith.constant 2 : i32
    %dma_start3A_35 = arith.constant 0 : i32
    %dma_start3A_36 = tpu.memref_slice %arg2[%dma_start3A_34, %add3A_33, %dma_start3A_35] : memref<4x4096x1024xf32, #tpu.memory_space<hbm>> -> memref<1x8x1024xf32, #tpu.memory_space<hbm>>
    %dma_start3A_37 = tpu.memref_squeeze %dma_start3A_36 : memref<1x8x1024xf32, #tpu.memory_space<hbm>> -> memref<8x1024xf32, #tpu.memory_space<hbm>>
    %dma_start3A_38 = arith.constant 0 : i32
    %dma_start3A_39 = tpu.memref_slice %arg2[%dma_start3A_34, %add3A_33, %dma_start3A_38] : memref<4x4096x1024xf32, #tpu.memory_space<hbm>> -> memref<1x8x1024xf32, #tpu.memory_space<hbm>>
    %dma_start3A_40 = tpu.memref_squeeze %dma_start3A_39 : memref<1x8x1024xf32, #tpu.memory_space<hbm>> -> memref<8x1024xf32, #tpu.memory_space<hbm>>
    tpu.enqueue_dma source(%dma_start3A_40 : memref<8x1024xf32, #tpu.memory_space<hbm>>) target(%arg7 : memref<8x1024xf32, #tpu.memory_space<vmem>>) target_semaphore(%arg17 : memref<!tpu.dma_semaphore, #tpu.memory_space<semaphore_mem>>)
    %add3A_41 = arith.constant 0 : i32
    %add3A_42 = arith.addi %mul3A_2, %add3A_41 : i32
    %dma_start3A_43 = arith.constant 3 : i32
    %dma_start3A_44 = arith.constant 0 : i32
    %dma_start3A_45 = tpu.memref_slice %arg2[%dma_start3A_43, %add3A_42, %dma_start3A_44] : memref<4x4096x1024xf32, #tpu.memory_space<hbm>> -> memref<1x8x1024xf32, #tpu.memory_space<hbm>>
    %dma_start3A_46 = tpu.memref_squeeze %dma_start3A_45 : memref<1x8x1024xf32, #tpu.memory_space<hbm>> -> memref<8x1024xf32, #tpu.memory_space<hbm>>
    %dma_start3A_47 = arith.constant 0 : i32
    %dma_start3A_48 = tpu.memref_slice %arg2[%dma_start3A_43, %add3A_42, %dma_start3A_47] : memref<4x4096x1024xf32, #tpu.memory_space<hbm>> -> memref<1x8x1024xf32, #tpu.memory_space<hbm>>
    %dma_start3A_49 = tpu.memref_squeeze %dma_start3A_48 : memref<1x8x1024xf32, #tpu.memory_space<hbm>> -> memref<8x1024xf32, #tpu.memory_space<hbm>>
    tpu.enqueue_dma source(%dma_start3A_49 : memref<8x1024xf32, #tpu.memory_space<hbm>>) target(%arg8 : memref<8x1024xf32, #tpu.memory_space<vmem>>) target_semaphore(%arg18 : memref<!tpu.dma_semaphore, #tpu.memory_space<semaphore_mem>>)
    %scan3A = arith.constant 0 : i32
    %scan3A_50 = arith.constant 0 : i32
    %scan3A_51 = arith.constant 8 : i32
    %scan3A_52 = arith.addi %scan3A_50, %scan3A_51 : i32
    %scan3A_53 = arith.constant 1 : i32
    scf.for %scan3A_90 = %scan3A_50 to %scan3A_52 step %scan3A_53  : i32 {
      %mul3A_91 = arith.constant 2 : i32
      %mul3A_92 = arith.muli %mul3A_91, %scan3A_90 : i32
      %add3A_93 = arith.constant 0 : i32
      %add3A_94 = arith.addi %mul3A_92, %add3A_93 : i32
      %mul3A_95 = arith.constant 8 : i32
      %mul3A_96 = arith.muli %add3A_94, %mul3A_95 : i32
      %add3A_97 = arith.addi %mul3A_2, %mul3A_96 : i32
      %dma_wait3A_98 = arith.constant 0 : i32
      %dma_wait3A_99 = arith.constant 0 : i32
      %dma_wait3A_100 = tpu.memref_slice %arg2[%dma_wait3A_98, %add3A_97, %dma_wait3A_99] : memref<4x4096x1024xf32, #tpu.memory_space<hbm>> -> memref<1x8x1024xf32, #tpu.memory_space<hbm>>
      %dma_wait3A_101 = tpu.memref_squeeze %dma_wait3A_100 : memref<1x8x1024xf32, #tpu.memory_space<hbm>> -> memref<8x1024xf32, #tpu.memory_space<hbm>>
      %dma_wait3A_102 = arith.constant 0 : i32
      %dma_wait3A_103 = tpu.memref_slice %arg2[%dma_wait3A_98, %add3A_97, %dma_wait3A_102] : memref<4x4096x1024xf32, #tpu.memory_space<hbm>> -> memref<1x8x1024xf32, #tpu.memory_space<hbm>>
      %dma_wait3A_104 = tpu.memref_squeeze %dma_wait3A_103 : memref<1x8x1024xf32, #tpu.memory_space<hbm>> -> memref<8x1024xf32, #tpu.memory_space<hbm>>
      tpu.wait_dma2 semaphore(%arg15 : memref<!tpu.dma_semaphore, #tpu.memory_space<semaphore_mem>>) src(%dma_wait3A_104 : memref<8x1024xf32, #tpu.memory_space<hbm>>) dst(%arg5 : memref<8x1024xf32, #tpu.memory_space<vmem>>)
      %mul3A_105 = arith.constant 8 : i32
      %mul3A_106 = arith.muli %add3A_94, %mul3A_105 : i32
      %add3A_107 = arith.addi %mul3A_2, %mul3A_106 : i32
      %dma_wait3A_108 = arith.constant 0 : i32
      %dma_wait3A_109 = tpu.memref_slice %arg3[%add3A_107, %dma_wait3A_108] : memref<4096x1024xf32, #tpu.memory_space<hbm>> -> memref<8x1024xf32, #tpu.memory_space<hbm>>
      %dma_wait3A_110 = arith.constant 0 : i32
      %dma_wait3A_111 = tpu.memref_slice %arg3[%add3A_107, %dma_wait3A_110] : memref<4096x1024xf32, #tpu.memory_space<hbm>> -> memref<8x1024xf32, #tpu.memory_space<hbm>>
      tpu.wait_dma2 semaphore(%arg23 : memref<!tpu.dma_semaphore, #tpu.memory_space<semaphore_mem>>) src(%dma_wait3A_111 : memref<8x1024xf32, #tpu.memory_space<hbm>>) dst(%arg13 : memref<8x1024xf32, #tpu.memory_space<vmem>>)
      %gt3A = arith.constant 0 : i32
      %gt3A_112 = arith.cmpi sgt, %scan3A_90, %gt3A : i32
      %convert_element_type3A = arith.extui %gt3A_112 : i1 to i32
      %cond3A = arith.constant 0 : i32
      %cond3A_113 = arith.cmpi ne, %convert_element_type3A, %cond3A : i32
      scf.if %cond3A_113 {
        %mul3A_466 = arith.constant 8 : i32
        %mul3A_467 = arith.muli %add3A_94, %mul3A_466 : i32
        %add3A_468 = arith.addi %mul3A_2, %mul3A_467 : i32
        %dma_wait3A_469 = arith.constant 0 : i32
        %dma_wait3A_470 = arith.constant 0 : i32
        %dma_wait3A_471 = tpu.memref_slice %arg4[%dma_wait3A_469, %add3A_468, %dma_wait3A_470] : memref<4x4096x1024xf32, #tpu.memory_space<hbm>> -> memref<1x8x1024xf32, #tpu.memory_space<hbm>>
        %dma_wait3A_472 = tpu.memref_squeeze %dma_wait3A_471 : memref<1x8x1024xf32, #tpu.memory_space<hbm>> -> memref<8x1024xf32, #tpu.memory_space<hbm>>
        %dma_wait3A_473 = arith.constant 0 : i32
        %dma_wait3A_474 = tpu.memref_slice %arg4[%dma_wait3A_469, %add3A_468, %dma_wait3A_473] : memref<4x4096x1024xf32, #tpu.memory_space<hbm>> -> memref<1x8x1024xf32, #tpu.memory_space<hbm>>
        %dma_wait3A_475 = tpu.memref_squeeze %dma_wait3A_474 : memref<1x8x1024xf32, #tpu.memory_space<hbm>> -> memref<8x1024xf32, #tpu.memory_space<hbm>>
        tpu.wait_dma2 semaphore(%arg19 : memref<!tpu.dma_semaphore, #tpu.memory_space<semaphore_mem>>) src(%arg9 : memref<8x1024xf32, #tpu.memory_space<vmem>>) dst(%dma_wait3A_475 : memref<8x1024xf32, #tpu.memory_space<hbm>>)
      } else {
      }
      %parallel_loop3A = arith.constant 0 : i32
      %parallel_loop3A_114 = arith.constant 512 : i32
      %parallel_loop3A_115 = arith.constant 1 : i32
      scf.for %parallel_loop3A_466 = %parallel_loop3A to %parallel_loop3A_114 step %parallel_loop3A_115  : i32 {
        %parallel_loop3A_467 = arith.constant 64 : i32
        %parallel_loop3A_468 = arith.divsi %parallel_loop3A_466, %parallel_loop3A_467 : i32
        %parallel_loop3A_469 = arith.constant 0 : i32
        %parallel_loop3A_470 = arith.cmpi sgt, %parallel_loop3A_466, %parallel_loop3A_469 : i32
        %parallel_loop3A_471 = arith.extui %parallel_loop3A_470 : i1 to i32
        %parallel_loop3A_472 = arith.constant 0 : i32
        %parallel_loop3A_473 = arith.cmpi slt, %parallel_loop3A_466, %parallel_loop3A_472 : i32
        %parallel_loop3A_474 = arith.extui %parallel_loop3A_473 : i1 to i32
        %parallel_loop3A_475 = arith.subi %parallel_loop3A_471, %parallel_loop3A_474 : i32
        %parallel_loop3A_476 = arith.constant 0 : i32
        %parallel_loop3A_477 = arith.cmpi sgt, %parallel_loop3A_467, %parallel_loop3A_476 : i32
        %parallel_loop3A_478 = arith.extui %parallel_loop3A_477 : i1 to i32
        %parallel_loop3A_479 = arith.constant 0 : i32
        %parallel_loop3A_480 = arith.cmpi slt, %parallel_loop3A_467, %parallel_loop3A_479 : i32
        %parallel_loop3A_481 = arith.extui %parallel_loop3A_480 : i1 to i32
        %parallel_loop3A_482 = arith.subi %parallel_loop3A_478, %parallel_loop3A_481 : i32
        %parallel_loop3A_483 = arith.cmpi ne, %parallel_loop3A_475, %parallel_loop3A_482 : i32
        %parallel_loop3A_484 = arith.remsi %parallel_loop3A_466, %parallel_loop3A_467 : i32
        %parallel_loop3A_485 = arith.constant 0 : i32
        %parallel_loop3A_486 = arith.cmpi ne, %parallel_loop3A_484, %parallel_loop3A_485 : i32
        %parallel_loop3A_487 = arith.andi %parallel_loop3A_483, %parallel_loop3A_486 : i1
        %parallel_loop3A_488 = arith.constant 1 : i32
        %parallel_loop3A_489 = arith.subi %parallel_loop3A_468, %parallel_loop3A_488 : i32
        %parallel_loop3A_490 = arith.select %parallel_loop3A_487, %parallel_loop3A_489, %parallel_loop3A_468 : i32
        %parallel_loop3A_491 = arith.constant 64 : i32
        %parallel_loop3A_492 = arith.constant 0 : i32
        %parallel_loop3A_493 = arith.cmpi eq, %parallel_loop3A_491, %parallel_loop3A_492 : i32
        %parallel_loop3A_494 = arith.constant 1 : i32
        %parallel_loop3A_495 = arith.select %parallel_loop3A_493, %parallel_loop3A_494, %parallel_loop3A_491 : i32
        %parallel_loop3A_496 = arith.remsi %parallel_loop3A_466, %parallel_loop3A_495 : i32
        %parallel_loop3A_497 = arith.constant 0 : i32
        %parallel_loop3A_498 = arith.cmpi ne, %parallel_loop3A_496, %parallel_loop3A_497 : i32
        %parallel_loop3A_499 = arith.constant 0 : i32
        %parallel_loop3A_500 = arith.cmpi slt, %parallel_loop3A_496, %parallel_loop3A_499 : i32
        %parallel_loop3A_501 = arith.constant 0 : i32
        %parallel_loop3A_502 = arith.cmpi slt, %parallel_loop3A_495, %parallel_loop3A_501 : i32
        %parallel_loop3A_503 = arith.xori %parallel_loop3A_500, %parallel_loop3A_502 : i1
        %parallel_loop3A_504 = arith.andi %parallel_loop3A_503, %parallel_loop3A_498 : i1
        %parallel_loop3A_505 = arith.addi %parallel_loop3A_496, %parallel_loop3A_495 : i32
        %parallel_loop3A_506 = arith.select %parallel_loop3A_504, %parallel_loop3A_505, %parallel_loop3A_496 : i32
        %parallel_loop3A_507 = arith.constant 16 : i32
        %parallel_loop3A_508 = arith.muli %parallel_loop3A_506, %parallel_loop3A_507 : i32
        %parallel_loop3A_509 = arith.index_cast %parallel_loop3A_490 : i32 to index
        %parallel_loop3A_510 = arith.index_cast %parallel_loop3A_508 : i32 to index
        %parallel_loop3A_511 = tpu.vector_load %arg5[%parallel_loop3A_509, %parallel_loop3A_510] {strides = array<i32>} : memref<8x1024xf32, #tpu.memory_space<vmem>>, vector<1x16xf32>,
        %parallel_loop3A_512 = vector.shape_cast %parallel_loop3A_511 : vector<1x16xf32> to vector<16xf32>
        %parallel_loop3A_513 = arith.index_cast %parallel_loop3A_490 : i32 to index
        %parallel_loop3A_514 = arith.index_cast %parallel_loop3A_508 : i32 to index
        %parallel_loop3A_515 = tpu.vector_load %arg13[%parallel_loop3A_513, %parallel_loop3A_514] {strides = array<i32>} : memref<8x1024xf32, #tpu.memory_space<vmem>>, vector<1x16xf32>,
        %parallel_loop3A_516 = vector.shape_cast %parallel_loop3A_515 : vector<1x16xf32> to vector<16xf32>
        %parallel_loop3A_517 = arith.addf %parallel_loop3A_512, %parallel_loop3A_516 : vector<16xf32>
        %parallel_loop3A_518 = arith.index_cast %parallel_loop3A_490 : i32 to index
        %parallel_loop3A_519 = arith.index_cast %parallel_loop3A_508 : i32 to index
        %parallel_loop3A_520 = tpu.vector_load %arg9[%parallel_loop3A_518, %parallel_loop3A_519] {strides = array<i32>} : memref<8x1024xf32, #tpu.memory_space<vmem>>, vector<1x16xf32>,
        %parallel_loop3A_521 = vector.shape_cast %parallel_loop3A_520 : vector<1x16xf32> to vector<16xf32>
        %parallel_loop3A_522 = vector.shape_cast %parallel_loop3A_517 : vector<16xf32> to vector<1x16xf32>
        tpu.vector_store %arg9[%parallel_loop3A_518, %parallel_loop3A_519], %parallel_loop3A_522 {strides = array<i32>} : memref<8x1024xf32, #tpu.memory_space<vmem>>, vector<1x16xf32>,
      } {sc.loop_unroll_factor = 4 : i64, sc.parallel_access}
      %mul3A_116 = arith.constant 8 : i32
      %mul3A_117 = arith.muli %add3A_94, %mul3A_116 : i32
      %add3A_118 = arith.addi %mul3A_2, %mul3A_117 : i32
      %dma_start3A_119 = arith.constant 0 : i32
      %dma_start3A_120 = arith.constant 0 : i32
      %dma_start3A_121 = tpu.memref_slice %arg4[%dma_start3A_119, %add3A_118, %dma_start3A_120] : memref<4x4096x1024xf32, #tpu.memory_space<hbm>> -> memref<1x8x1024xf32, #tpu.memory_space<hbm>>
      %dma_start3A_122 = tpu.memref_squeeze %dma_start3A_121 : memref<1x8x1024xf32, #tpu.memory_space<hbm>> -> memref<8x1024xf32, #tpu.memory_space<hbm>>
      %dma_start3A_123 = arith.constant 0 : i32
      %dma_start3A_124 = tpu.memref_slice %arg4[%dma_start3A_119, %add3A_118, %dma_start3A_123] : memref<4x4096x1024xf32, #tpu.memory_space<hbm>> -> memref<1x8x1024xf32, #tpu.memory_space<hbm>>
      %dma_start3A_125 = tpu.memref_squeeze %dma_start3A_124 : memref<1x8x1024xf32, #tpu.memory_space<hbm>> -> memref<8x1024xf32, #tpu.memory_space<hbm>>
      tpu.enqueue_dma source(%arg9 : memref<8x1024xf32, #tpu.memory_space<vmem>>) target(%dma_start3A_125 : memref<8x1024xf32, #tpu.memory_space<hbm>>) target_semaphore(%arg19 : memref<!tpu.dma_semaphore, #tpu.memory_space<semaphore_mem>>)
      %add3A_126 = arith.constant 1 : i32
      %add3A_127 = arith.addi %add3A_94, %add3A_126 : i32
      %mul3A_128 = arith.constant 8 : i32
      %mul3A_129 = arith.muli %add3A_127, %mul3A_128 : i32
      %add3A_130 = arith.addi %mul3A_2, %mul3A_129 : i32
      %dma_start3A_131 = arith.constant 0 : i32
      %dma_start3A_132 = arith.constant 0 : i32
      %dma_start3A_133 = tpu.memref_slice %arg2[%dma_start3A_131, %add3A_130, %dma_start3A_132] : memref<4x4096x1024xf32, #tpu.memory_space<hbm>> -> memref<1x8x1024xf32, #tpu.memory_space<hbm>>
      %dma_start3A_134 = tpu.memref_squeeze %dma_start3A_133 : memref<1x8x1024xf32, #tpu.memory_space<hbm>> -> memref<8x1024xf32, #tpu.memory_space<hbm>>
      %dma_start3A_135 = arith.constant 0 : i32
      %dma_start3A_136 = tpu.memref_slice %arg2[%dma_start3A_131, %add3A_130, %dma_start3A_135] : memref<4x4096x1024xf32, #tpu.memory_space<hbm>> -> memref<1x8x1024xf32, #tpu.memory_space<hbm>>
      %dma_start3A_137 = tpu.memref_squeeze %dma_start3A_136 : memref<1x8x1024xf32, #tpu.memory_space<hbm>> -> memref<8x1024xf32, #tpu.memory_space<hbm>>
      tpu.enqueue_dma source(%dma_start3A_137 : memref<8x1024xf32, #tpu.memory_space<hbm>>) target(%arg5 : memref<8x1024xf32, #tpu.memory_space<vmem>>) target_semaphore(%arg15 : memref<!tpu.dma_semaphore, #tpu.memory_space<semaphore_mem>>)
      %mul3A_138 = arith.constant 2 : i32
      %mul3A_139 = arith.muli %mul3A_138, %scan3A_90 : i32
      %add3A_140 = arith.constant 0 : i32
      %add3A_141 = arith.addi %mul3A_139, %add3A_140 : i32
      %mul3A_142 = arith.constant 8 : i32
      %mul3A_143 = arith.muli %add3A_141, %mul3A_142 : i32
      %add3A_144 = arith.addi %mul3A_2, %mul3A_143 : i32
      %dma_wait3A_145 = arith.constant 1 : i32
      %dma_wait3A_146 = arith.constant 0 : i32
      %dma_wait3A_147 = tpu.memref_slice %arg2[%dma_wait3A_145, %add3A_144, %dma_wait3A_146] : memref<4x4096x1024xf32, #tpu.memory_space<hbm>> -> memref<1x8x1024xf32, #tpu.memory_space<hbm>>
      %dma_wait3A_148 = tpu.memref_squeeze %dma_wait3A_147 : memref<1x8x1024xf32, #tpu.memory_space<hbm>> -> memref<8x1024xf32, #tpu.memory_space<hbm>>
      %dma_wait3A_149 = arith.constant 0 : i32
      %dma_wait3A_150 = tpu.memref_slice %arg2[%dma_wait3A_145, %add3A_144, %dma_wait3A_149] : memref<4x4096x1024xf32, #tpu.memory_space<hbm>> -> memref<1x8x1024xf32, #tpu.memory_space<hbm>>
      %dma_wait3A_151 = tpu.memref_squeeze %dma_wait3A_150 : memref<1x8x1024xf32, #tpu.memory_space<hbm>> -> memref<8x1024xf32, #tpu.memory_space<hbm>>
      tpu.wait_dma2 semaphore(%arg16 : memref<!tpu.dma_semaphore, #tpu.memory_space<semaphore_mem>>) src(%dma_wait3A_151 : memref<8x1024xf32, #tpu.memory_space<hbm>>) dst(%arg6 : memref<8x1024xf32, #tpu.memory_space<vmem>>)
      %gt3A_152 = arith.constant 0 : i32
      %gt3A_153 = arith.cmpi sgt, %scan3A_90, %gt3A_152 : i32
      %convert_element_type3A_154 = arith.extui %gt3A_153 : i1 to i32
      %cond3A_155 = arith.constant 0 : i32
      %cond3A_156 = arith.cmpi ne, %convert_element_type3A_154, %cond3A_155 : i32
      scf.if %cond3A_156 {
        %mul3A_466 = arith.constant 8 : i32
        %mul3A_467 = arith.muli %add3A_141, %mul3A_466 : i32
        %add3A_468 = arith.addi %mul3A_2, %mul3A_467 : i32
        %dma_wait3A_469 = arith.constant 1 : i32
        %dma_wait3A_470 = arith.constant 0 : i32
        %dma_wait3A_471 = tpu.memref_slice %arg4[%dma_wait3A_469, %add3A_468, %dma_wait3A_470] : memref<4x4096x1024xf32, #tpu.memory_space<hbm>> -> memref<1x8x1024xf32, #tpu.memory_space<hbm>>
        %dma_wait3A_472 = tpu.memref_squeeze %dma_wait3A_471 : memref<1x8x1024xf32, #tpu.memory_space<hbm>> -> memref<8x1024xf32, #tpu.memory_space<hbm>>
        %dma_wait3A_473 = arith.constant 0 : i32
        %dma_wait3A_474 = tpu.memref_slice %arg4[%dma_wait3A_469, %add3A_468, %dma_wait3A_473] : memref<4x4096x1024xf32, #tpu.memory_space<hbm>> -> memref<1x8x1024xf32, #tpu.memory_space<hbm>>
        %dma_wait3A_475 = tpu.memref_squeeze %dma_wait3A_474 : memref<1x8x1024xf32, #tpu.memory_space<hbm>> -> memref<8x1024xf32, #tpu.memory_space<hbm>>
        tpu.wait_dma2 semaphore(%arg20 : memref<!tpu.dma_semaphore, #tpu.memory_space<semaphore_mem>>) src(%arg10 : memref<8x1024xf32, #tpu.memory_space<vmem>>) dst(%dma_wait3A_475 : memref<8x1024xf32, #tpu.memory_space<hbm>>)
      } else {
      }
      %parallel_loop3A_157 = arith.constant 0 : i32
      %parallel_loop3A_158 = arith.constant 512 : i32
      %parallel_loop3A_159 = arith.constant 1 : i32
      scf.for %parallel_loop3A_466 = %parallel_loop3A_157 to %parallel_loop3A_158 step %parallel_loop3A_159  : i32 {
        %parallel_loop3A_467 = arith.constant 64 : i32
        %parallel_loop3A_468 = arith.divsi %parallel_loop3A_466, %parallel_loop3A_467 : i32
        %parallel_loop3A_469 = arith.constant 0 : i32
        %parallel_loop3A_470 = arith.cmpi sgt, %parallel_loop3A_466, %parallel_loop3A_469 : i32
        %parallel_loop3A_471 = arith.extui %parallel_loop3A_470 : i1 to i32
        %parallel_loop3A_472 = arith.constant 0 : i32
        %parallel_loop3A_473 = arith.cmpi slt, %parallel_loop3A_466, %parallel_loop3A_472 : i32
        %parallel_loop3A_474 = arith.extui %parallel_loop3A_473 : i1 to i32
        %parallel_loop3A_475 = arith.subi %parallel_loop3A_471, %parallel_loop3A_474 : i32
        %parallel_loop3A_476 = arith.constant 0 : i32
        %parallel_loop3A_477 = arith.cmpi sgt, %parallel_loop3A_467, %parallel_loop3A_476 : i32
        %parallel_loop3A_478 = arith.extui %parallel_loop3A_477 : i1 to i32
        %parallel_loop3A_479 = arith.constant 0 : i32
        %parallel_loop3A_480 = arith.cmpi slt, %parallel_loop3A_467, %parallel_loop3A_479 : i32
        %parallel_loop3A_481 = arith.extui %parallel_loop3A_480 : i1 to i32
        %parallel_loop3A_482 = arith.subi %parallel_loop3A_478, %parallel_loop3A_481 : i32
        %parallel_loop3A_483 = arith.cmpi ne, %parallel_loop3A_475, %parallel_loop3A_482 : i32
        %parallel_loop3A_484 = arith.remsi %parallel_loop3A_466, %parallel_loop3A_467 : i32
        %parallel_loop3A_485 = arith.constant 0 : i32
        %parallel_loop3A_486 = arith.cmpi ne, %parallel_loop3A_484, %parallel_loop3A_485 : i32
        %parallel_loop3A_487 = arith.andi %parallel_loop3A_483, %parallel_loop3A_486 : i1
        %parallel_loop3A_488 = arith.constant 1 : i32
        %parallel_loop3A_489 = arith.subi %parallel_loop3A_468, %parallel_loop3A_488 : i32
        %parallel_loop3A_490 = arith.select %parallel_loop3A_487, %parallel_loop3A_489, %parallel_loop3A_468 : i32
        %parallel_loop3A_491 = arith.constant 64 : i32
        %parallel_loop3A_492 = arith.constant 0 : i32
        %parallel_loop3A_493 = arith.cmpi eq, %parallel_loop3A_491, %parallel_loop3A_492 : i32
        %parallel_loop3A_494 = arith.constant 1 : i32
        %parallel_loop3A_495 = arith.select %parallel_loop3A_493, %parallel_loop3A_494, %parallel_loop3A_491 : i32
        %parallel_loop3A_496 = arith.remsi %parallel_loop3A_466, %parallel_loop3A_495 : i32
        %parallel_loop3A_497 = arith.constant 0 : i32
        %parallel_loop3A_498 = arith.cmpi ne, %parallel_loop3A_496, %parallel_loop3A_497 : i32
        %parallel_loop3A_499 = arith.constant 0 : i32
        %parallel_loop3A_500 = arith.cmpi slt, %parallel_loop3A_496, %parallel_loop3A_499 : i32
        %parallel_loop3A_501 = arith.constant 0 : i32
        %parallel_loop3A_502 = arith.cmpi slt, %parallel_loop3A_495, %parallel_loop3A_501 : i32
        %parallel_loop3A_503 = arith.xori %parallel_loop3A_500, %parallel_loop3A_502 : i1
        %parallel_loop3A_504 = arith.andi %parallel_loop3A_503, %parallel_loop3A_498 : i1
        %parallel_loop3A_505 = arith.addi %parallel_loop3A_496, %parallel_loop3A_495 : i32
        %parallel_loop3A_506 = arith.select %parallel_loop3A_504, %parallel_loop3A_505, %parallel_loop3A_496 : i32
        %parallel_loop3A_507 = arith.constant 16 : i32
        %parallel_loop3A_508 = arith.muli %parallel_loop3A_506, %parallel_loop3A_507 : i32
        %parallel_loop3A_509 = arith.index_cast %parallel_loop3A_490 : i32 to index
        %parallel_loop3A_510 = arith.index_cast %parallel_loop3A_508 : i32 to index
        %parallel_loop3A_511 = tpu.vector_load %arg6[%parallel_loop3A_509, %parallel_loop3A_510] {strides = array<i32>} : memref<8x1024xf32, #tpu.memory_space<vmem>>, vector<1x16xf32>,
        %parallel_loop3A_512 = vector.shape_cast %parallel_loop3A_511 : vector<1x16xf32> to vector<16xf32>
        %parallel_loop3A_513 = arith.index_cast %parallel_loop3A_490 : i32 to index
        %parallel_loop3A_514 = arith.index_cast %parallel_loop3A_508 : i32 to index
        %parallel_loop3A_515 = tpu.vector_load %arg13[%parallel_loop3A_513, %parallel_loop3A_514] {strides = array<i32>} : memref<8x1024xf32, #tpu.memory_space<vmem>>, vector<1x16xf32>,
        %parallel_loop3A_516 = vector.shape_cast %parallel_loop3A_515 : vector<1x16xf32> to vector<16xf32>
        %parallel_loop3A_517 = arith.addf %parallel_loop3A_512, %parallel_loop3A_516 : vector<16xf32>
        %parallel_loop3A_518 = arith.index_cast %parallel_loop3A_490 : i32 to index
        %parallel_loop3A_519 = arith.index_cast %parallel_loop3A_508 : i32 to index
        %parallel_loop3A_520 = tpu.vector_load %arg10[%parallel_loop3A_518, %parallel_loop3A_519] {strides = array<i32>} : memref<8x1024xf32, #tpu.memory_space<vmem>>, vector<1x16xf32>,
        %parallel_loop3A_521 = vector.shape_cast %parallel_loop3A_520 : vector<1x16xf32> to vector<16xf32>
        %parallel_loop3A_522 = vector.shape_cast %parallel_loop3A_517 : vector<16xf32> to vector<1x16xf32>
        tpu.vector_store %arg10[%parallel_loop3A_518, %parallel_loop3A_519], %parallel_loop3A_522 {strides = array<i32>} : memref<8x1024xf32, #tpu.memory_space<vmem>>, vector<1x16xf32>,
      } {sc.loop_unroll_factor = 4 : i64, sc.parallel_access}
      %mul3A_160 = arith.constant 8 : i32
      %mul3A_161 = arith.muli %add3A_141, %mul3A_160 : i32
      %add3A_162 = arith.addi %mul3A_2, %mul3A_161 : i32
      %dma_start3A_163 = arith.constant 1 : i32
      %dma_start3A_164 = arith.constant 0 : i32
      %dma_start3A_165 = tpu.memref_slice %arg4[%dma_start3A_163, %add3A_162, %dma_start3A_164] : memref<4x4096x1024xf32, #tpu.memory_space<hbm>> -> memref<1x8x1024xf32, #tpu.memory_space<hbm>>
      %dma_start3A_166 = tpu.memref_squeeze %dma_start3A_165 : memref<1x8x1024xf32, #tpu.memory_space<hbm>> -> memref<8x1024xf32, #tpu.memory_space<hbm>>
      %dma_start3A_167 = arith.constant 0 : i32
      %dma_start3A_168 = tpu.memref_slice %arg4[%dma_start3A_163, %add3A_162, %dma_start3A_167] : memref<4x4096x1024xf32, #tpu.memory_space<hbm>> -> memref<1x8x1024xf32, #tpu.memory_space<hbm>>
      %dma_start3A_169 = tpu.memref_squeeze %dma_start3A_168 : memref<1x8x1024xf32, #tpu.memory_space<hbm>> -> memref<8x1024xf32, #tpu.memory_space<hbm>>
      tpu.enqueue_dma source(%arg10 : memref<8x1024xf32, #tpu.memory_space<vmem>>) target(%dma_start3A_169 : memref<8x1024xf32, #tpu.memory_space<hbm>>) target_semaphore(%arg20 : memref<!tpu.dma_semaphore, #tpu.memory_space<semaphore_mem>>)
      %add3A_170 = arith.constant 1 : i32
      %add3A_171 = arith.addi %add3A_141, %add3A_170 : i32
      %mul3A_172 = arith.constant 8 : i32
      %mul3A_173 = arith.muli %add3A_171, %mul3A_172 : i32
      %add3A_174 = arith.addi %mul3A_2, %mul3A_173 : i32
      %dma_start3A_175 = arith.constant 1 : i32
      %dma_start3A_176 = arith.constant 0 : i32
      %dma_start3A_177 = tpu.memref_slice %arg2[%dma_start3A_175, %add3A_174, %dma_start3A_176] : memref<4x4096x1024xf32, #tpu.memory_space<hbm>> -> memref<1x8x1024xf32, #tpu.memory_space<hbm>>
      %dma_start3A_178 = tpu.memref_squeeze %dma_start3A_177 : memref<1x8x1024xf32, #tpu.memory_space<hbm>> -> memref<8x1024xf32, #tpu.memory_space<hbm>>
      %dma_start3A_179 = arith.constant 0 : i32
      %dma_start3A_180 = tpu.memref_slice %arg2[%dma_start3A_175, %add3A_174, %dma_start3A_179] : memref<4x4096x1024xf32, #tpu.memory_space<hbm>> -> memref<1x8x1024xf32, #tpu.memory_space<hbm>>
      %dma_start3A_181 = tpu.memref_squeeze %dma_start3A_180 : memref<1x8x1024xf32, #tpu.memory_space<hbm>> -> memref<8x1024xf32, #tpu.memory_space<hbm>>
      tpu.enqueue_dma source(%dma_start3A_181 : memref<8x1024xf32, #tpu.memory_space<hbm>>) target(%arg6 : memref<8x1024xf32, #tpu.memory_space<vmem>>) target_semaphore(%arg16 : memref<!tpu.dma_semaphore, #tpu.memory_space<semaphore_mem>>)
      %mul3A_182 = arith.constant 2 : i32
      %mul3A_183 = arith.muli %mul3A_182, %scan3A_90 : i32
      %add3A_184 = arith.constant 0 : i32
      %add3A_185 = arith.addi %mul3A_183, %add3A_184 : i32
      %mul3A_186 = arith.constant 8 : i32
      %mul3A_187 = arith.muli %add3A_185, %mul3A_186 : i32
      %add3A_188 = arith.addi %mul3A_2, %mul3A_187 : i32
      %dma_wait3A_189 = arith.constant 2 : i32
      %dma_wait3A_190 = arith.constant 0 : i32
      %dma_wait3A_191 = tpu.memref_slice %arg2[%dma_wait3A_189, %add3A_188, %dma_wait3A_190] : memref<4x4096x1024xf32, #tpu.memory_space<hbm>> -> memref<1x8x1024xf32, #tpu.memory_space<hbm>>
      %dma_wait3A_192 = tpu.memref_squeeze %dma_wait3A_191 : memref<1x8x1024xf32, #tpu.memory_space<hbm>> -> memref<8x1024xf32, #tpu.memory_space<hbm>>
      %dma_wait3A_193 = arith.constant 0 : i32
      %dma_wait3A_194 = tpu.memref_slice %arg2[%dma_wait3A_189, %add3A_188, %dma_wait3A_193] : memref<4x4096x1024xf32, #tpu.memory_space<hbm>> -> memref<1x8x1024xf32, #tpu.memory_space<hbm>>
      %dma_wait3A_195 = tpu.memref_squeeze %dma_wait3A_194 : memref<1x8x1024xf32, #tpu.memory_space<hbm>> -> memref<8x1024xf32, #tpu.memory_space<hbm>>
      tpu.wait_dma2 semaphore(%arg17 : memref<!tpu.dma_semaphore, #tpu.memory_space<semaphore_mem>>) src(%dma_wait3A_195 : memref<8x1024xf32, #tpu.memory_space<hbm>>) dst(%arg7 : memref<8x1024xf32, #tpu.memory_space<vmem>>)
      %gt3A_196 = arith.constant 0 : i32
      %gt3A_197 = arith.cmpi sgt, %scan3A_90, %gt3A_196 : i32
      %convert_element_type3A_198 = arith.extui %gt3A_197 : i1 to i32
      %cond3A_199 = arith.constant 0 : i32
      %cond3A_200 = arith.cmpi ne, %convert_element_type3A_198, %cond3A_199 : i32
      scf.if %cond3A_200 {
        %mul3A_466 = arith.constant 8 : i32
        %mul3A_467 = arith.muli %add3A_185, %mul3A_466 : i32
        %add3A_468 = arith.addi %mul3A_2, %mul3A_467 : i32
        %dma_wait3A_469 = arith.constant 2 : i32
        %dma_wait3A_470 = arith.constant 0 : i32
        %dma_wait3A_471 = tpu.memref_slice %arg4[%dma_wait3A_469, %add3A_468, %dma_wait3A_470] : memref<4x4096x1024xf32, #tpu.memory_space<hbm>> -> memref<1x8x1024xf32, #tpu.memory_space<hbm>>
        %dma_wait3A_472 = tpu.memref_squeeze %dma_wait3A_471 : memref<1x8x1024xf32, #tpu.memory_space<hbm>> -> memref<8x1024xf32, #tpu.memory_space<hbm>>
        %dma_wait3A_473 = arith.constant 0 : i32
        %dma_wait3A_474 = tpu.memref_slice %arg4[%dma_wait3A_469, %add3A_468, %dma_wait3A_473] : memref<4x4096x1024xf32, #tpu.memory_space<hbm>> -> memref<1x8x1024xf32, #tpu.memory_space<hbm>>
        %dma_wait3A_475 = tpu.memref_squeeze %dma_wait3A_474 : memref<1x8x1024xf32, #tpu.memory_space<hbm>> -> memref<8x1024xf32, #tpu.memory_space<hbm>>
        tpu.wait_dma2 semaphore(%arg21 : memref<!tpu.dma_semaphore, #tpu.memory_space<semaphore_mem>>) src(%arg11 : memref<8x1024xf32, #tpu.memory_space<vmem>>) dst(%dma_wait3A_475 : memref<8x1024xf32, #tpu.memory_space<hbm>>)
      } else {
      }
      %parallel_loop3A_201 = arith.constant 0 : i32
      %parallel_loop3A_202 = arith.constant 512 : i32
      %parallel_loop3A_203 = arith.constant 1 : i32
      scf.for %parallel_loop3A_466 = %parallel_loop3A_201 to %parallel_loop3A_202 step %parallel_loop3A_203  : i32 {
        %parallel_loop3A_467 = arith.constant 64 : i32
        %parallel_loop3A_468 = arith.divsi %parallel_loop3A_466, %parallel_loop3A_467 : i32
        %parallel_loop3A_469 = arith.constant 0 : i32
        %parallel_loop3A_470 = arith.cmpi sgt, %parallel_loop3A_466, %parallel_loop3A_469 : i32
        %parallel_loop3A_471 = arith.extui %parallel_loop3A_470 : i1 to i32
        %parallel_loop3A_472 = arith.constant 0 : i32
        %parallel_loop3A_473 = arith.cmpi slt, %parallel_loop3A_466, %parallel_loop3A_472 : i32
        %parallel_loop3A_474 = arith.extui %parallel_loop3A_473 : i1 to i32
        %parallel_loop3A_475 = arith.subi %parallel_loop3A_471, %parallel_loop3A_474 : i32
        %parallel_loop3A_476 = arith.constant 0 : i32
        %parallel_loop3A_477 = arith.cmpi sgt, %parallel_loop3A_467, %parallel_loop3A_476 : i32
        %parallel_loop3A_478 = arith.extui %parallel_loop3A_477 : i1 to i32
        %parallel_loop3A_479 = arith.constant 0 : i32
        %parallel_loop3A_480 = arith.cmpi slt, %parallel_loop3A_467, %parallel_loop3A_479 : i32
        %parallel_loop3A_481 = arith.extui %parallel_loop3A_480 : i1 to i32
        %parallel_loop3A_482 = arith.subi %parallel_loop3A_478, %parallel_loop3A_481 : i32
        %parallel_loop3A_483 = arith.cmpi ne, %parallel_loop3A_475, %parallel_loop3A_482 : i32
        %parallel_loop3A_484 = arith.remsi %parallel_loop3A_466, %parallel_loop3A_467 : i32
        %parallel_loop3A_485 = arith.constant 0 : i32
        %parallel_loop3A_486 = arith.cmpi ne, %parallel_loop3A_484, %parallel_loop3A_485 : i32
        %parallel_loop3A_487 = arith.andi %parallel_loop3A_483, %parallel_loop3A_486 : i1
        %parallel_loop3A_488 = arith.constant 1 : i32
        %parallel_loop3A_489 = arith.subi %parallel_loop3A_468, %parallel_loop3A_488 : i32
        %parallel_loop3A_490 = arith.select %parallel_loop3A_487, %parallel_loop3A_489, %parallel_loop3A_468 : i32
        %parallel_loop3A_491 = arith.constant 64 : i32
        %parallel_loop3A_492 = arith.constant 0 : i32
        %parallel_loop3A_493 = arith.cmpi eq, %parallel_loop3A_491, %parallel_loop3A_492 : i32
        %parallel_loop3A_494 = arith.constant 1 : i32
        %parallel_loop3A_495 = arith.select %parallel_loop3A_493, %parallel_loop3A_494, %parallel_loop3A_491 : i32
        %parallel_loop3A_496 = arith.remsi %parallel_loop3A_466, %parallel_loop3A_495 : i32
        %parallel_loop3A_497 = arith.constant 0 : i32
        %parallel_loop3A_498 = arith.cmpi ne, %parallel_loop3A_496, %parallel_loop3A_497 : i32
        %parallel_loop3A_499 = arith.constant 0 : i32
        %parallel_loop3A_500 = arith.cmpi slt, %parallel_loop3A_496, %parallel_loop3A_499 : i32
        %parallel_loop3A_501 = arith.constant 0 : i32
        %parallel_loop3A_502 = arith.cmpi slt, %parallel_loop3A_495, %parallel_loop3A_501 : i32
        %parallel_loop3A_503 = arith.xori %parallel_loop3A_500, %parallel_loop3A_502 : i1
        %parallel_loop3A_504 = arith.andi %parallel_loop3A_503, %parallel_loop3A_498 : i1
        %parallel_loop3A_505 = arith.addi %parallel_loop3A_496, %parallel_loop3A_495 : i32
        %parallel_loop3A_506 = arith.select %parallel_loop3A_504, %parallel_loop3A_505, %parallel_loop3A_496 : i32
        %parallel_loop3A_507 = arith.constant 16 : i32
        %parallel_loop3A_508 = arith.muli %parallel_loop3A_506, %parallel_loop3A_507 : i32
        %parallel_loop3A_509 = arith.index_cast %parallel_loop3A_490 : i32 to index
        %parallel_loop3A_510 = arith.index_cast %parallel_loop3A_508 : i32 to index
        %parallel_loop3A_511 = tpu.vector_load %arg7[%parallel_loop3A_509, %parallel_loop3A_510] {strides = array<i32>} : memref<8x1024xf32, #tpu.memory_space<vmem>>, vector<1x16xf32>,
        %parallel_loop3A_512 = vector.shape_cast %parallel_loop3A_511 : vector<1x16xf32> to vector<16xf32>
        %parallel_loop3A_513 = arith.index_cast %parallel_loop3A_490 : i32 to index
        %parallel_loop3A_514 = arith.index_cast %parallel_loop3A_508 : i32 to index
        %parallel_loop3A_515 = tpu.vector_load %arg13[%parallel_loop3A_513, %parallel_loop3A_514] {strides = array<i32>} : memref<8x1024xf32, #tpu.memory_space<vmem>>, vector<1x16xf32>,
        %parallel_loop3A_516 = vector.shape_cast %parallel_loop3A_515 : vector<1x16xf32> to vector<16xf32>
        %parallel_loop3A_517 = arith.addf %parallel_loop3A_512, %parallel_loop3A_516 : vector<16xf32>
        %parallel_loop3A_518 = arith.index_cast %parallel_loop3A_490 : i32 to index
        %parallel_loop3A_519 = arith.index_cast %parallel_loop3A_508 : i32 to index
        %parallel_loop3A_520 = tpu.vector_load %arg11[%parallel_loop3A_518, %parallel_loop3A_519] {strides = array<i32>} : memref<8x1024xf32, #tpu.memory_space<vmem>>, vector<1x16xf32>,
        %parallel_loop3A_521 = vector.shape_cast %parallel_loop3A_520 : vector<1x16xf32> to vector<16xf32>
        %parallel_loop3A_522 = vector.shape_cast %parallel_loop3A_517 : vector<16xf32> to vector<1x16xf32>
        tpu.vector_store %arg11[%parallel_loop3A_518, %parallel_loop3A_519], %parallel_loop3A_522 {strides = array<i32>} : memref<8x1024xf32, #tpu.memory_space<vmem>>, vector<1x16xf32>,
      } {sc.loop_unroll_factor = 4 : i64, sc.parallel_access}
      %mul3A_204 = arith.constant 8 : i32
      %mul3A_205 = arith.muli %add3A_185, %mul3A_204 : i32
      %add3A_206 = arith.addi %mul3A_2, %mul3A_205 : i32
      %dma_start3A_207 = arith.constant 2 : i32
      %dma_start3A_208 = arith.constant 0 : i32
      %dma_start3A_209 = tpu.memref_slice %arg4[%dma_start3A_207, %add3A_206, %dma_start3A_208] : memref<4x4096x1024xf32, #tpu.memory_space<hbm>> -> memref<1x8x1024xf32, #tpu.memory_space<hbm>>
      %dma_start3A_210 = tpu.memref_squeeze %dma_start3A_209 : memref<1x8x1024xf32, #tpu.memory_space<hbm>> -> memref<8x1024xf32, #tpu.memory_space<hbm>>
      %dma_start3A_211 = arith.constant 0 : i32
      %dma_start3A_212 = tpu.memref_slice %arg4[%dma_start3A_207, %add3A_206, %dma_start3A_211] : memref<4x4096x1024xf32, #tpu.memory_space<hbm>> -> memref<1x8x1024xf32, #tpu.memory_space<hbm>>
      %dma_start3A_213 = tpu.memref_squeeze %dma_start3A_212 : memref<1x8x1024xf32, #tpu.memory_space<hbm>> -> memref<8x1024xf32, #tpu.memory_space<hbm>>
      tpu.enqueue_dma source(%arg11 : memref<8x1024xf32, #tpu.memory_space<vmem>>) target(%dma_start3A_213 : memref<8x1024xf32, #tpu.memory_space<hbm>>) target_semaphore(%arg21 : memref<!tpu.dma_semaphore, #tpu.memory_space<semaphore_mem>>)
      %add3A_214 = arith.constant 1 : i32
      %add3A_215 = arith.addi %add3A_185, %add3A_214 : i32
      %mul3A_216 = arith.constant 8 : i32
      %mul3A_217 = arith.muli %add3A_215, %mul3A_216 : i32
      %add3A_218 = arith.addi %mul3A_2, %mul3A_217 : i32
      %dma_start3A_219 = arith.constant 2 : i32
      %dma_start3A_220 = arith.constant 0 : i32
      %dma_start3A_221 = tpu.memref_slice %arg2[%dma_start3A_219, %add3A_218, %dma_start3A_220] : memref<4x4096x1024xf32, #tpu.memory_space<hbm>> -> memref<1x8x1024xf32, #tpu.memory_space<hbm>>
      %dma_start3A_222 = tpu.memref_squeeze %dma_start3A_221 : memref<1x8x1024xf32, #tpu.memory_space<hbm>> -> memref<8x1024xf32, #tpu.memory_space<hbm>>
      %dma_start3A_223 = arith.constant 0 : i32
      %dma_start3A_224 = tpu.memref_slice %arg2[%dma_start3A_219, %add3A_218, %dma_start3A_223] : memref<4x4096x1024xf32, #tpu.memory_space<hbm>> -> memref<1x8x1024xf32, #tpu.memory_space<hbm>>
      %dma_start3A_225 = tpu.memref_squeeze %dma_start3A_224 : memref<1x8x1024xf32, #tpu.memory_space<hbm>> -> memref<8x1024xf32, #tpu.memory_space<hbm>>
      tpu.enqueue_dma source(%dma_start3A_225 : memref<8x1024xf32, #tpu.memory_space<hbm>>) target(%arg7 : memref<8x1024xf32, #tpu.memory_space<vmem>>) target_semaphore(%arg17 : memref<!tpu.dma_semaphore, #tpu.memory_space<semaphore_mem>>)
      %mul3A_226 = arith.constant 2 : i32
      %mul3A_227 = arith.muli %mul3A_226, %scan3A_90 : i32
      %add3A_228 = arith.constant 0 : i32
      %add3A_229 = arith.addi %mul3A_227, %add3A_228 : i32
      %mul3A_230 = arith.constant 8 : i32
      %mul3A_231 = arith.muli %add3A_229, %mul3A_230 : i32
      %add3A_232 = arith.addi %mul3A_2, %mul3A_231 : i32
      %dma_wait3A_233 = arith.constant 3 : i32
      %dma_wait3A_234 = arith.constant 0 : i32
      %dma_wait3A_235 = tpu.memref_slice %arg2[%dma_wait3A_233, %add3A_232, %dma_wait3A_234] : memref<4x4096x1024xf32, #tpu.memory_space<hbm>> -> memref<1x8x1024xf32, #tpu.memory_space<hbm>>
      %dma_wait3A_236 = tpu.memref_squeeze %dma_wait3A_235 : memref<1x8x1024xf32, #tpu.memory_space<hbm>> -> memref<8x1024xf32, #tpu.memory_space<hbm>>
      %dma_wait3A_237 = arith.constant 0 : i32
      %dma_wait3A_238 = tpu.memref_slice %arg2[%dma_wait3A_233, %add3A_232, %dma_wait3A_237] : memref<4x4096x1024xf32, #tpu.memory_space<hbm>> -> memref<1x8x1024xf32, #tpu.memory_space<hbm>>
      %dma_wait3A_239 = tpu.memref_squeeze %dma_wait3A_238 : memref<1x8x1024xf32, #tpu.memory_space<hbm>> -> memref<8x1024xf32, #tpu.memory_space<hbm>>
      tpu.wait_dma2 semaphore(%arg18 : memref<!tpu.dma_semaphore, #tpu.memory_space<semaphore_mem>>) src(%dma_wait3A_239 : memref<8x1024xf32, #tpu.memory_space<hbm>>) dst(%arg8 : memref<8x1024xf32, #tpu.memory_space<vmem>>)
      %gt3A_240 = arith.constant 0 : i32
      %gt3A_241 = arith.cmpi sgt, %scan3A_90, %gt3A_240 : i32
      %convert_element_type3A_242 = arith.extui %gt3A_241 : i1 to i32
      %cond3A_243 = arith.constant 0 : i32
      %cond3A_244 = arith.cmpi ne, %convert_element_type3A_242, %cond3A_243 : i32
      scf.if %cond3A_244 {
        %mul3A_466 = arith.constant 8 : i32
        %mul3A_467 = arith.muli %add3A_229, %mul3A_466 : i32
        %add3A_468 = arith.addi %mul3A_2, %mul3A_467 : i32
        %dma_wait3A_469 = arith.constant 3 : i32
        %dma_wait3A_470 = arith.constant 0 : i32
        %dma_wait3A_471 = tpu.memref_slice %arg4[%dma_wait3A_469, %add3A_468, %dma_wait3A_470] : memref<4x4096x1024xf32, #tpu.memory_space<hbm>> -> memref<1x8x1024xf32, #tpu.memory_space<hbm>>
        %dma_wait3A_472 = tpu.memref_squeeze %dma_wait3A_471 : memref<1x8x1024xf32, #tpu.memory_space<hbm>> -> memref<8x1024xf32, #tpu.memory_space<hbm>>
        %dma_wait3A_473 = arith.constant 0 : i32
        %dma_wait3A_474 = tpu.memref_slice %arg4[%dma_wait3A_469, %add3A_468, %dma_wait3A_473] : memref<4x4096x1024xf32, #tpu.memory_space<hbm>> -> memref<1x8x1024xf32, #tpu.memory_space<hbm>>
        %dma_wait3A_475 = tpu.memref_squeeze %dma_wait3A_474 : memref<1x8x1024xf32, #tpu.memory_space<hbm>> -> memref<8x1024xf32, #tpu.memory_space<hbm>>
        tpu.wait_dma2 semaphore(%arg22 : memref<!tpu.dma_semaphore, #tpu.memory_space<semaphore_mem>>) src(%arg12 : memref<8x1024xf32, #tpu.memory_space<vmem>>) dst(%dma_wait3A_475 : memref<8x1024xf32, #tpu.memory_space<hbm>>)
      } else {
      }
      %parallel_loop3A_245 = arith.constant 0 : i32
      %parallel_loop3A_246 = arith.constant 512 : i32
      %parallel_loop3A_247 = arith.constant 1 : i32
      scf.for %parallel_loop3A_466 = %parallel_loop3A_245 to %parallel_loop3A_246 step %parallel_loop3A_247  : i32 {
        %parallel_loop3A_467 = arith.constant 64 : i32
        %parallel_loop3A_468 = arith.divsi %parallel_loop3A_466, %parallel_loop3A_467 : i32
        %parallel_loop3A_469 = arith.constant 0 : i32
        %parallel_loop3A_470 = arith.cmpi sgt, %parallel_loop3A_466, %parallel_loop3A_469 : i32
        %parallel_loop3A_471 = arith.extui %parallel_loop3A_470 : i1 to i32
        %parallel_loop3A_472 = arith.constant 0 : i32
        %parallel_loop3A_473 = arith.cmpi slt, %parallel_loop3A_466, %parallel_loop3A_472 : i32
        %parallel_loop3A_474 = arith.extui %parallel_loop3A_473 : i1 to i32
        %parallel_loop3A_475 = arith.subi %parallel_loop3A_471, %parallel_loop3A_474 : i32
        %parallel_loop3A_476 = arith.constant 0 : i32
        %parallel_loop3A_477 = arith.cmpi sgt, %parallel_loop3A_467, %parallel_loop3A_476 : i32
        %parallel_loop3A_478 = arith.extui %parallel_loop3A_477 : i1 to i32
        %parallel_loop3A_479 = arith.constant 0 : i32
        %parallel_loop3A_480 = arith.cmpi slt, %parallel_loop3A_467, %parallel_loop3A_479 : i32
        %parallel_loop3A_481 = arith.extui %parallel_loop3A_480 : i1 to i32
        %parallel_loop3A_482 = arith.subi %parallel_loop3A_478, %parallel_loop3A_481 : i32
        %parallel_loop3A_483 = arith.cmpi ne, %parallel_loop3A_475, %parallel_loop3A_482 : i32
        %parallel_loop3A_484 = arith.remsi %parallel_loop3A_466, %parallel_loop3A_467 : i32
        %parallel_loop3A_485 = arith.constant 0 : i32
        %parallel_loop3A_486 = arith.cmpi ne, %parallel_loop3A_484, %parallel_loop3A_485 : i32
        %parallel_loop3A_487 = arith.andi %parallel_loop3A_483, %parallel_loop3A_486 : i1
        %parallel_loop3A_488 = arith.constant 1 : i32
        %parallel_loop3A_489 = arith.subi %parallel_loop3A_468, %parallel_loop3A_488 : i32
        %parallel_loop3A_490 = arith.select %parallel_loop3A_487, %parallel_loop3A_489, %parallel_loop3A_468 : i32
        %parallel_loop3A_491 = arith.constant 64 : i32
        %parallel_loop3A_492 = arith.constant 0 : i32
        %parallel_loop3A_493 = arith.cmpi eq, %parallel_loop3A_491, %parallel_loop3A_492 : i32
        %parallel_loop3A_494 = arith.constant 1 : i32
        %parallel_loop3A_495 = arith.select %parallel_loop3A_493, %parallel_loop3A_494, %parallel_loop3A_491 : i32
        %parallel_loop3A_496 = arith.remsi %parallel_loop3A_466, %parallel_loop3A_495 : i32
        %parallel_loop3A_497 = arith.constant 0 : i32
        %parallel_loop3A_498 = arith.cmpi ne, %parallel_loop3A_496, %parallel_loop3A_497 : i32
        %parallel_loop3A_499 = arith.constant 0 : i32
        %parallel_loop3A_500 = arith.cmpi slt, %parallel_loop3A_496, %parallel_loop3A_499 : i32
        %parallel_loop3A_501 = arith.constant 0 : i32
        %parallel_loop3A_502 = arith.cmpi slt, %parallel_loop3A_495, %parallel_loop3A_501 : i32
        %parallel_loop3A_503 = arith.xori %parallel_loop3A_500, %parallel_loop3A_502 : i1
        %parallel_loop3A_504 = arith.andi %parallel_loop3A_503, %parallel_loop3A_498 : i1
        %parallel_loop3A_505 = arith.addi %parallel_loop3A_496, %parallel_loop3A_495 : i32
        %parallel_loop3A_506 = arith.select %parallel_loop3A_504, %parallel_loop3A_505, %parallel_loop3A_496 : i32
        %parallel_loop3A_507 = arith.constant 16 : i32
        %parallel_loop3A_508 = arith.muli %parallel_loop3A_506, %parallel_loop3A_507 : i32
        %parallel_loop3A_509 = arith.index_cast %parallel_loop3A_490 : i32 to index
        %parallel_loop3A_510 = arith.index_cast %parallel_loop3A_508 : i32 to index
        %parallel_loop3A_511 = tpu.vector_load %arg8[%parallel_loop3A_509, %parallel_loop3A_510] {strides = array<i32>} : memref<8x1024xf32, #tpu.memory_space<vmem>>, vector<1x16xf32>,
        %parallel_loop3A_512 = vector.shape_cast %parallel_loop3A_511 : vector<1x16xf32> to vector<16xf32>
        %parallel_loop3A_513 = arith.index_cast %parallel_loop3A_490 : i32 to index
        %parallel_loop3A_514 = arith.index_cast %parallel_loop3A_508 : i32 to index
        %parallel_loop3A_515 = tpu.vector_load %arg13[%parallel_loop3A_513, %parallel_loop3A_514] {strides = array<i32>} : memref<8x1024xf32, #tpu.memory_space<vmem>>, vector<1x16xf32>,
        %parallel_loop3A_516 = vector.shape_cast %parallel_loop3A_515 : vector<1x16xf32> to vector<16xf32>
        %parallel_loop3A_517 = arith.addf %parallel_loop3A_512, %parallel_loop3A_516 : vector<16xf32>
        %parallel_loop3A_518 = arith.index_cast %parallel_loop3A_490 : i32 to index
        %parallel_loop3A_519 = arith.index_cast %parallel_loop3A_508 : i32 to index
        %parallel_loop3A_520 = tpu.vector_load %arg12[%parallel_loop3A_518, %parallel_loop3A_519] {strides = array<i32>} : memref<8x1024xf32, #tpu.memory_space<vmem>>, vector<1x16xf32>,
        %parallel_loop3A_521 = vector.shape_cast %parallel_loop3A_520 : vector<1x16xf32> to vector<16xf32>
        %parallel_loop3A_522 = vector.shape_cast %parallel_loop3A_517 : vector<16xf32> to vector<1x16xf32>
        tpu.vector_store %arg12[%parallel_loop3A_518, %parallel_loop3A_519], %parallel_loop3A_522 {strides = array<i32>} : memref<8x1024xf32, #tpu.memory_space<vmem>>, vector<1x16xf32>,
      } {sc.loop_unroll_factor = 4 : i64, sc.parallel_access}
      %mul3A_248 = arith.constant 8 : i32
      %mul3A_249 = arith.muli %add3A_229, %mul3A_248 : i32
      %add3A_250 = arith.addi %mul3A_2, %mul3A_249 : i32
      %dma_start3A_251 = arith.constant 3 : i32
      %dma_start3A_252 = arith.constant 0 : i32
      %dma_start3A_253 = tpu.memref_slice %arg4[%dma_start3A_251, %add3A_250, %dma_start3A_252] : memref<4x4096x1024xf32, #tpu.memory_space<hbm>> -> memref<1x8x1024xf32, #tpu.memory_space<hbm>>
      %dma_start3A_254 = tpu.memref_squeeze %dma_start3A_253 : memref<1x8x1024xf32, #tpu.memory_space<hbm>> -> memref<8x1024xf32, #tpu.memory_space<hbm>>
      %dma_start3A_255 = arith.constant 0 : i32
      %dma_start3A_256 = tpu.memref_slice %arg4[%dma_start3A_251, %add3A_250, %dma_start3A_255] : memref<4x4096x1024xf32, #tpu.memory_space<hbm>> -> memref<1x8x1024xf32, #tpu.memory_space<hbm>>
      %dma_start3A_257 = tpu.memref_squeeze %dma_start3A_256 : memref<1x8x1024xf32, #tpu.memory_space<hbm>> -> memref<8x1024xf32, #tpu.memory_space<hbm>>
      tpu.enqueue_dma source(%arg12 : memref<8x1024xf32, #tpu.memory_space<vmem>>) target(%dma_start3A_257 : memref<8x1024xf32, #tpu.memory_space<hbm>>) target_semaphore(%arg22 : memref<!tpu.dma_semaphore, #tpu.memory_space<semaphore_mem>>)
      %add3A_258 = arith.constant 1 : i32
      %add3A_259 = arith.addi %add3A_229, %add3A_258 : i32
      %mul3A_260 = arith.constant 8 : i32
      %mul3A_261 = arith.muli %add3A_259, %mul3A_260 : i32
      %add3A_262 = arith.addi %mul3A_2, %mul3A_261 : i32
      %dma_start3A_263 = arith.constant 3 : i32
      %dma_start3A_264 = arith.constant 0 : i32
      %dma_start3A_265 = tpu.memref_slice %arg2[%dma_start3A_263, %add3A_262, %dma_start3A_264] : memref<4x4096x1024xf32, #tpu.memory_space<hbm>> -> memref<1x8x1024xf32, #tpu.memory_space<hbm>>
      %dma_start3A_266 = tpu.memref_squeeze %dma_start3A_265 : memref<1x8x1024xf32, #tpu.memory_space<hbm>> -> memref<8x1024xf32, #tpu.memory_space<hbm>>
      %dma_start3A_267 = arith.constant 0 : i32
      %dma_start3A_268 = tpu.memref_slice %arg2[%dma_start3A_263, %add3A_262, %dma_start3A_267] : memref<4x4096x1024xf32, #tpu.memory_space<hbm>> -> memref<1x8x1024xf32, #tpu.memory_space<hbm>>
      %dma_start3A_269 = tpu.memref_squeeze %dma_start3A_268 : memref<1x8x1024xf32, #tpu.memory_space<hbm>> -> memref<8x1024xf32, #tpu.memory_space<hbm>>
      tpu.enqueue_dma source(%dma_start3A_269 : memref<8x1024xf32, #tpu.memory_space<hbm>>) target(%arg8 : memref<8x1024xf32, #tpu.memory_space<vmem>>) target_semaphore(%arg18 : memref<!tpu.dma_semaphore, #tpu.memory_space<semaphore_mem>>)
      %add3A_270 = arith.constant 2 : i32
      %add3A_271 = arith.addi %add3A_229, %add3A_270 : i32
      %lt3A = arith.constant 16 : i32
      %lt3A_272 = arith.cmpi slt, %add3A_271, %lt3A : i32
      %convert_element_type3A_273 = arith.extui %lt3A_272 : i1 to i32
      %cond3A_274 = arith.constant 0 : i32
      %cond3A_275 = arith.cmpi ne, %convert_element_type3A_273, %cond3A_274 : i32
      scf.if %cond3A_275 {
        %add3A_466 = arith.constant 2 : i32
        %add3A_467 = arith.addi %add3A_229, %add3A_466 : i32
        %mul3A_468 = arith.constant 8 : i32
        %mul3A_469 = arith.muli %add3A_467, %mul3A_468 : i32
        %add3A_470 = arith.addi %mul3A_2, %mul3A_469 : i32
        %dma_start3A_471 = arith.constant 0 : i32
        %dma_start3A_472 = tpu.memref_slice %arg3[%add3A_470, %dma_start3A_471] : memref<4096x1024xf32, #tpu.memory_space<hbm>> -> memref<8x1024xf32, #tpu.memory_space<hbm>>
        %dma_start3A_473 = arith.constant 0 : i32
        %dma_start3A_474 = tpu.memref_slice %arg3[%add3A_470, %dma_start3A_473] : memref<4096x1024xf32, #tpu.memory_space<hbm>> -> memref<8x1024xf32, #tpu.memory_space<hbm>>
        tpu.enqueue_dma source(%dma_start3A_474 : memref<8x1024xf32, #tpu.memory_space<hbm>>) target(%arg13 : memref<8x1024xf32, #tpu.memory_space<vmem>>) target_semaphore(%arg23 : memref<!tpu.dma_semaphore, #tpu.memory_space<semaphore_mem>>)
      } else {
      }
      %mul3A_276 = arith.constant 2 : i32
      %mul3A_277 = arith.muli %mul3A_276, %scan3A_90 : i32
      %add3A_278 = arith.constant 1 : i32
      %add3A_279 = arith.addi %mul3A_277, %add3A_278 : i32
      %mul3A_280 = arith.constant 8 : i32
      %mul3A_281 = arith.muli %add3A_279, %mul3A_280 : i32
      %add3A_282 = arith.addi %mul3A_2, %mul3A_281 : i32
      %dma_wait3A_283 = arith.constant 0 : i32
      %dma_wait3A_284 = arith.constant 0 : i32
      %dma_wait3A_285 = tpu.memref_slice %arg2[%dma_wait3A_283, %add3A_282, %dma_wait3A_284] : memref<4x4096x1024xf32, #tpu.memory_space<hbm>> -> memref<1x8x1024xf32, #tpu.memory_space<hbm>>
      %dma_wait3A_286 = tpu.memref_squeeze %dma_wait3A_285 : memref<1x8x1024xf32, #tpu.memory_space<hbm>> -> memref<8x1024xf32, #tpu.memory_space<hbm>>
      %dma_wait3A_287 = arith.constant 0 : i32
      %dma_wait3A_288 = tpu.memref_slice %arg2[%dma_wait3A_283, %add3A_282, %dma_wait3A_287] : memref<4x4096x1024xf32, #tpu.memory_space<hbm>> -> memref<1x8x1024xf32, #tpu.memory_space<hbm>>
      %dma_wait3A_289 = tpu.memref_squeeze %dma_wait3A_288 : memref<1x8x1024xf32, #tpu.memory_space<hbm>> -> memref<8x1024xf32, #tpu.memory_space<hbm>>
      tpu.wait_dma2 semaphore(%arg15 : memref<!tpu.dma_semaphore, #tpu.memory_space<semaphore_mem>>) src(%dma_wait3A_289 : memref<8x1024xf32, #tpu.memory_space<hbm>>) dst(%arg5 : memref<8x1024xf32, #tpu.memory_space<vmem>>)
      %mul3A_290 = arith.constant 8 : i32
      %mul3A_291 = arith.muli %add3A_279, %mul3A_290 : i32
      %add3A_292 = arith.addi %mul3A_2, %mul3A_291 : i32
      %dma_wait3A_293 = arith.constant 0 : i32
      %dma_wait3A_294 = tpu.memref_slice %arg3[%add3A_292, %dma_wait3A_293] : memref<4096x1024xf32, #tpu.memory_space<hbm>> -> memref<8x1024xf32, #tpu.memory_space<hbm>>
      %dma_wait3A_295 = arith.constant 0 : i32
      %dma_wait3A_296 = tpu.memref_slice %arg3[%add3A_292, %dma_wait3A_295] : memref<4096x1024xf32, #tpu.memory_space<hbm>> -> memref<8x1024xf32, #tpu.memory_space<hbm>>
      tpu.wait_dma2 semaphore(%arg24 : memref<!tpu.dma_semaphore, #tpu.memory_space<semaphore_mem>>) src(%dma_wait3A_296 : memref<8x1024xf32, #tpu.memory_space<hbm>>) dst(%arg14 : memref<8x1024xf32, #tpu.memory_space<vmem>>)
      %mul3A_297 = arith.constant 8 : i32
      %mul3A_298 = arith.muli %add3A_279, %mul3A_297 : i32
      %add3A_299 = arith.addi %mul3A_2, %mul3A_298 : i32
      %dma_wait3A_300 = arith.constant 0 : i32
      %dma_wait3A_301 = arith.constant 0 : i32
      %dma_wait3A_302 = tpu.memref_slice %arg4[%dma_wait3A_300, %add3A_299, %dma_wait3A_301] : memref<4x4096x1024xf32, #tpu.memory_space<hbm>> -> memref<1x8x1024xf32, #tpu.memory_space<hbm>>
      %dma_wait3A_303 = tpu.memref_squeeze %dma_wait3A_302 : memref<1x8x1024xf32, #tpu.memory_space<hbm>> -> memref<8x1024xf32, #tpu.memory_space<hbm>>
      %dma_wait3A_304 = arith.constant 0 : i32
      %dma_wait3A_305 = tpu.memref_slice %arg4[%dma_wait3A_300, %add3A_299, %dma_wait3A_304] : memref<4x4096x1024xf32, #tpu.memory_space<hbm>> -> memref<1x8x1024xf32, #tpu.memory_space<hbm>>
      %dma_wait3A_306 = tpu.memref_squeeze %dma_wait3A_305 : memref<1x8x1024xf32, #tpu.memory_space<hbm>> -> memref<8x1024xf32, #tpu.memory_space<hbm>>
      tpu.wait_dma2 semaphore(%arg19 : memref<!tpu.dma_semaphore, #tpu.memory_space<semaphore_mem>>) src(%arg9 : memref<8x1024xf32, #tpu.memory_space<vmem>>) dst(%dma_wait3A_306 : memref<8x1024xf32, #tpu.memory_space<hbm>>)
      %parallel_loop3A_307 = arith.constant 0 : i32
      %parallel_loop3A_308 = arith.constant 512 : i32
      %parallel_loop3A_309 = arith.constant 1 : i32
      scf.for %parallel_loop3A_466 = %parallel_loop3A_307 to %parallel_loop3A_308 step %parallel_loop3A_309  : i32 {
        %parallel_loop3A_467 = arith.constant 64 : i32
        %parallel_loop3A_468 = arith.divsi %parallel_loop3A_466, %parallel_loop3A_467 : i32
        %parallel_loop3A_469 = arith.constant 0 : i32
        %parallel_loop3A_470 = arith.cmpi sgt, %parallel_loop3A_466, %parallel_loop3A_469 : i32
        %parallel_loop3A_471 = arith.extui %parallel_loop3A_470 : i1 to i32
        %parallel_loop3A_472 = arith.constant 0 : i32
        %parallel_loop3A_473 = arith.cmpi slt, %parallel_loop3A_466, %parallel_loop3A_472 : i32
        %parallel_loop3A_474 = arith.extui %parallel_loop3A_473 : i1 to i32
        %parallel_loop3A_475 = arith.subi %parallel_loop3A_471, %parallel_loop3A_474 : i32
        %parallel_loop3A_476 = arith.constant 0 : i32
        %parallel_loop3A_477 = arith.cmpi sgt, %parallel_loop3A_467, %parallel_loop3A_476 : i32
        %parallel_loop3A_478 = arith.extui %parallel_loop3A_477 : i1 to i32
        %parallel_loop3A_479 = arith.constant 0 : i32
        %parallel_loop3A_480 = arith.cmpi slt, %parallel_loop3A_467, %parallel_loop3A_479 : i32
        %parallel_loop3A_481 = arith.extui %parallel_loop3A_480 : i1 to i32
        %parallel_loop3A_482 = arith.subi %parallel_loop3A_478, %parallel_loop3A_481 : i32
        %parallel_loop3A_483 = arith.cmpi ne, %parallel_loop3A_475, %parallel_loop3A_482 : i32
        %parallel_loop3A_484 = arith.remsi %parallel_loop3A_466, %parallel_loop3A_467 : i32
        %parallel_loop3A_485 = arith.constant 0 : i32
        %parallel_loop3A_486 = arith.cmpi ne, %parallel_loop3A_484, %parallel_loop3A_485 : i32
        %parallel_loop3A_487 = arith.andi %parallel_loop3A_483, %parallel_loop3A_486 : i1
        %parallel_loop3A_488 = arith.constant 1 : i32
        %parallel_loop3A_489 = arith.subi %parallel_loop3A_468, %parallel_loop3A_488 : i32
        %parallel_loop3A_490 = arith.select %parallel_loop3A_487, %parallel_loop3A_489, %parallel_loop3A_468 : i32
        %parallel_loop3A_491 = arith.constant 64 : i32
        %parallel_loop3A_492 = arith.constant 0 : i32
        %parallel_loop3A_493 = arith.cmpi eq, %parallel_loop3A_491, %parallel_loop3A_492 : i32
        %parallel_loop3A_494 = arith.constant 1 : i32
        %parallel_loop3A_495 = arith.select %parallel_loop3A_493, %parallel_loop3A_494, %parallel_loop3A_491 : i32
        %parallel_loop3A_496 = arith.remsi %parallel_loop3A_466, %parallel_loop3A_495 : i32
        %parallel_loop3A_497 = arith.constant 0 : i32
        %parallel_loop3A_498 = arith.cmpi ne, %parallel_loop3A_496, %parallel_loop3A_497 : i32
        %parallel_loop3A_499 = arith.constant 0 : i32
        %parallel_loop3A_500 = arith.cmpi slt, %parallel_loop3A_496, %parallel_loop3A_499 : i32
        %parallel_loop3A_501 = arith.constant 0 : i32
        %parallel_loop3A_502 = arith.cmpi slt, %parallel_loop3A_495, %parallel_loop3A_501 : i32
        %parallel_loop3A_503 = arith.xori %parallel_loop3A_500, %parallel_loop3A_502 : i1
        %parallel_loop3A_504 = arith.andi %parallel_loop3A_503, %parallel_loop3A_498 : i1
        %parallel_loop3A_505 = arith.addi %parallel_loop3A_496, %parallel_loop3A_495 : i32
        %parallel_loop3A_506 = arith.select %parallel_loop3A_504, %parallel_loop3A_505, %parallel_loop3A_496 : i32
        %parallel_loop3A_507 = arith.constant 16 : i32
        %parallel_loop3A_508 = arith.muli %parallel_loop3A_506, %parallel_loop3A_507 : i32
        %parallel_loop3A_509 = arith.index_cast %parallel_loop3A_490 : i32 to index
        %parallel_loop3A_510 = arith.index_cast %parallel_loop3A_508 : i32 to index
        %parallel_loop3A_511 = tpu.vector_load %arg5[%parallel_loop3A_509, %parallel_loop3A_510] {strides = array<i32>} : memref<8x1024xf32, #tpu.memory_space<vmem>>, vector<1x16xf32>,
        %parallel_loop3A_512 = vector.shape_cast %parallel_loop3A_511 : vector<1x16xf32> to vector<16xf32>
        %parallel_loop3A_513 = arith.index_cast %parallel_loop3A_490 : i32 to index
        %parallel_loop3A_514 = arith.index_cast %parallel_loop3A_508 : i32 to index
        %parallel_loop3A_515 = tpu.vector_load %arg14[%parallel_loop3A_513, %parallel_loop3A_514] {strides = array<i32>} : memref<8x1024xf32, #tpu.memory_space<vmem>>, vector<1x16xf32>,
        %parallel_loop3A_516 = vector.shape_cast %parallel_loop3A_515 : vector<1x16xf32> to vector<16xf32>
        %parallel_loop3A_517 = arith.addf %parallel_loop3A_512, %parallel_loop3A_516 : vector<16xf32>
        %parallel_loop3A_518 = arith.index_cast %parallel_loop3A_490 : i32 to index
        %parallel_loop3A_519 = arith.index_cast %parallel_loop3A_508 : i32 to index
        %parallel_loop3A_520 = tpu.vector_load %arg9[%parallel_loop3A_518, %parallel_loop3A_519] {strides = array<i32>} : memref<8x1024xf32, #tpu.memory_space<vmem>>, vector<1x16xf32>,
        %parallel_loop3A_521 = vector.shape_cast %parallel_loop3A_520 : vector<1x16xf32> to vector<16xf32>
        %parallel_loop3A_522 = vector.shape_cast %parallel_loop3A_517 : vector<16xf32> to vector<1x16xf32>
        tpu.vector_store %arg9[%parallel_loop3A_518, %parallel_loop3A_519], %parallel_loop3A_522 {strides = array<i32>} : memref<8x1024xf32, #tpu.memory_space<vmem>>, vector<1x16xf32>,
      } {sc.loop_unroll_factor = 4 : i64, sc.parallel_access}
      %mul3A_310 = arith.constant 8 : i32
      %mul3A_311 = arith.muli %add3A_279, %mul3A_310 : i32
      %add3A_312 = arith.addi %mul3A_2, %mul3A_311 : i32
      %dma_start3A_313 = arith.constant 0 : i32
      %dma_start3A_314 = arith.constant 0 : i32
      %dma_start3A_315 = tpu.memref_slice %arg4[%dma_start3A_313, %add3A_312, %dma_start3A_314] : memref<4x4096x1024xf32, #tpu.memory_space<hbm>> -> memref<1x8x1024xf32, #tpu.memory_space<hbm>>
      %dma_start3A_316 = tpu.memref_squeeze %dma_start3A_315 : memref<1x8x1024xf32, #tpu.memory_space<hbm>> -> memref<8x1024xf32, #tpu.memory_space<hbm>>
      %dma_start3A_317 = arith.constant 0 : i32
      %dma_start3A_318 = tpu.memref_slice %arg4[%dma_start3A_313, %add3A_312, %dma_start3A_317] : memref<4x4096x1024xf32, #tpu.memory_space<hbm>> -> memref<1x8x1024xf32, #tpu.memory_space<hbm>>
      %dma_start3A_319 = tpu.memref_squeeze %dma_start3A_318 : memref<1x8x1024xf32, #tpu.memory_space<hbm>> -> memref<8x1024xf32, #tpu.memory_space<hbm>>
      tpu.enqueue_dma source(%arg9 : memref<8x1024xf32, #tpu.memory_space<vmem>>) target(%dma_start3A_319 : memref<8x1024xf32, #tpu.memory_space<hbm>>) target_semaphore(%arg19 : memref<!tpu.dma_semaphore, #tpu.memory_space<semaphore_mem>>)
      %add3A_320 = arith.constant 1 : i32
      %add3A_321 = arith.addi %scan3A_90, %add3A_320 : i32
      %lt3A_322 = arith.constant 8 : i32
      %lt3A_323 = arith.cmpi slt, %add3A_321, %lt3A_322 : i32
      %convert_element_type3A_324 = arith.extui %lt3A_323 : i1 to i32
      %cond3A_325 = arith.constant 0 : i32
      %cond3A_326 = arith.cmpi ne, %convert_element_type3A_324, %cond3A_325 : i32
      scf.if %cond3A_326 {
        %add3A_466 = arith.constant 1 : i32
        %add3A_467 = arith.addi %add3A_279, %add3A_466 : i32
        %mul3A_468 = arith.constant 8 : i32
        %mul3A_469 = arith.muli %add3A_467, %mul3A_468 : i32
        %add3A_470 = arith.addi %mul3A_2, %mul3A_469 : i32
        %dma_start3A_471 = arith.constant 0 : i32
        %dma_start3A_472 = arith.constant 0 : i32
        %dma_start3A_473 = tpu.memref_slice %arg2[%dma_start3A_471, %add3A_470, %dma_start3A_472] : memref<4x4096x1024xf32, #tpu.memory_space<hbm>> -> memref<1x8x1024xf32, #tpu.memory_space<hbm>>
        %dma_start3A_474 = tpu.memref_squeeze %dma_start3A_473 : memref<1x8x1024xf32, #tpu.memory_space<hbm>> -> memref<8x1024xf32, #tpu.memory_space<hbm>>
        %dma_start3A_475 = arith.constant 0 : i32
        %dma_start3A_476 = tpu.memref_slice %arg2[%dma_start3A_471, %add3A_470, %dma_start3A_475] : memref<4x4096x1024xf32, #tpu.memory_space<hbm>> -> memref<1x8x1024xf32, #tpu.memory_space<hbm>>
        %dma_start3A_477 = tpu.memref_squeeze %dma_start3A_476 : memref<1x8x1024xf32, #tpu.memory_space<hbm>> -> memref<8x1024xf32, #tpu.memory_space<hbm>>
        tpu.enqueue_dma source(%dma_start3A_477 : memref<8x1024xf32, #tpu.memory_space<hbm>>) target(%arg5 : memref<8x1024xf32, #tpu.memory_space<vmem>>) target_semaphore(%arg15 : memref<!tpu.dma_semaphore, #tpu.memory_space<semaphore_mem>>)
      } else {
      }
      %mul3A_327 = arith.constant 2 : i32
      %mul3A_328 = arith.muli %mul3A_327, %scan3A_90 : i32
      %add3A_329 = arith.constant 1 : i32
      %add3A_330 = arith.addi %mul3A_328, %add3A_329 : i32
      %mul3A_331 = arith.constant 8 : i32
      %mul3A_332 = arith.muli %add3A_330, %mul3A_331 : i32
      %add3A_333 = arith.addi %mul3A_2, %mul3A_332 : i32
      %dma_wait3A_334 = arith.constant 1 : i32
      %dma_wait3A_335 = arith.constant 0 : i32
      %dma_wait3A_336 = tpu.memref_slice %arg2[%dma_wait3A_334, %add3A_333, %dma_wait3A_335] : memref<4x4096x1024xf32, #tpu.memory_space<hbm>> -> memref<1x8x1024xf32, #tpu.memory_space<hbm>>
      %dma_wait3A_337 = tpu.memref_squeeze %dma_wait3A_336 : memref<1x8x1024xf32, #tpu.memory_space<hbm>> -> memref<8x1024xf32, #tpu.memory_space<hbm>>
      %dma_wait3A_338 = arith.constant 0 : i32
      %dma_wait3A_339 = tpu.memref_slice %arg2[%dma_wait3A_334, %add3A_333, %dma_wait3A_338] : memref<4x4096x1024xf32, #tpu.memory_space<hbm>> -> memref<1x8x1024xf32, #tpu.memory_space<hbm>>
      %dma_wait3A_340 = tpu.memref_squeeze %dma_wait3A_339 : memref<1x8x1024xf32, #tpu.memory_space<hbm>> -> memref<8x1024xf32, #tpu.memory_space<hbm>>
      tpu.wait_dma2 semaphore(%arg16 : memref<!tpu.dma_semaphore, #tpu.memory_space<semaphore_mem>>) src(%dma_wait3A_340 : memref<8x1024xf32, #tpu.memory_space<hbm>>) dst(%arg6 : memref<8x1024xf32, #tpu.memory_space<vmem>>)
      %mul3A_341 = arith.constant 8 : i32
      %mul3A_342 = arith.muli %add3A_330, %mul3A_341 : i32
      %add3A_343 = arith.addi %mul3A_2, %mul3A_342 : i32
      %dma_wait3A_344 = arith.constant 1 : i32
      %dma_wait3A_345 = arith.constant 0 : i32
      %dma_wait3A_346 = tpu.memref_slice %arg4[%dma_wait3A_344, %add3A_343, %dma_wait3A_345] : memref<4x4096x1024xf32, #tpu.memory_space<hbm>> -> memref<1x8x1024xf32, #tpu.memory_space<hbm>>
      %dma_wait3A_347 = tpu.memref_squeeze %dma_wait3A_346 : memref<1x8x1024xf32, #tpu.memory_space<hbm>> -> memref<8x1024xf32, #tpu.memory_space<hbm>>
      %dma_wait3A_348 = arith.constant 0 : i32
      %dma_wait3A_349 = tpu.memref_slice %arg4[%dma_wait3A_344, %add3A_343, %dma_wait3A_348] : memref<4x4096x1024xf32, #tpu.memory_space<hbm>> -> memref<1x8x1024xf32, #tpu.memory_space<hbm>>
      %dma_wait3A_350 = tpu.memref_squeeze %dma_wait3A_349 : memref<1x8x1024xf32, #tpu.memory_space<hbm>> -> memref<8x1024xf32, #tpu.memory_space<hbm>>
      tpu.wait_dma2 semaphore(%arg20 : memref<!tpu.dma_semaphore, #tpu.memory_space<semaphore_mem>>) src(%arg10 : memref<8x1024xf32, #tpu.memory_space<vmem>>) dst(%dma_wait3A_350 : memref<8x1024xf32, #tpu.memory_space<hbm>>)
      %parallel_loop3A_351 = arith.constant 0 : i32
      %parallel_loop3A_352 = arith.constant 512 : i32
      %parallel_loop3A_353 = arith.constant 1 : i32
      scf.for %parallel_loop3A_466 = %parallel_loop3A_351 to %parallel_loop3A_352 step %parallel_loop3A_353  : i32 {
        %parallel_loop3A_467 = arith.constant 64 : i32
        %parallel_loop3A_468 = arith.divsi %parallel_loop3A_466, %parallel_loop3A_467 : i32
        %parallel_loop3A_469 = arith.constant 0 : i32
        %parallel_loop3A_470 = arith.cmpi sgt, %parallel_loop3A_466, %parallel_loop3A_469 : i32
        %parallel_loop3A_471 = arith.extui %parallel_loop3A_470 : i1 to i32
        %parallel_loop3A_472 = arith.constant 0 : i32
        %parallel_loop3A_473 = arith.cmpi slt, %parallel_loop3A_466, %parallel_loop3A_472 : i32
        %parallel_loop3A_474 = arith.extui %parallel_loop3A_473 : i1 to i32
        %parallel_loop3A_475 = arith.subi %parallel_loop3A_471, %parallel_loop3A_474 : i32
        %parallel_loop3A_476 = arith.constant 0 : i32
        %parallel_loop3A_477 = arith.cmpi sgt, %parallel_loop3A_467, %parallel_loop3A_476 : i32
        %parallel_loop3A_478 = arith.extui %parallel_loop3A_477 : i1 to i32
        %parallel_loop3A_479 = arith.constant 0 : i32
        %parallel_loop3A_480 = arith.cmpi slt, %parallel_loop3A_467, %parallel_loop3A_479 : i32
        %parallel_loop3A_481 = arith.extui %parallel_loop3A_480 : i1 to i32
        %parallel_loop3A_482 = arith.subi %parallel_loop3A_478, %parallel_loop3A_481 : i32
        %parallel_loop3A_483 = arith.cmpi ne, %parallel_loop3A_475, %parallel_loop3A_482 : i32
        %parallel_loop3A_484 = arith.remsi %parallel_loop3A_466, %parallel_loop3A_467 : i32
        %parallel_loop3A_485 = arith.constant 0 : i32
        %parallel_loop3A_486 = arith.cmpi ne, %parallel_loop3A_484, %parallel_loop3A_485 : i32
        %parallel_loop3A_487 = arith.andi %parallel_loop3A_483, %parallel_loop3A_486 : i1
        %parallel_loop3A_488 = arith.constant 1 : i32
        %parallel_loop3A_489 = arith.subi %parallel_loop3A_468, %parallel_loop3A_488 : i32
        %parallel_loop3A_490 = arith.select %parallel_loop3A_487, %parallel_loop3A_489, %parallel_loop3A_468 : i32
        %parallel_loop3A_491 = arith.constant 64 : i32
        %parallel_loop3A_492 = arith.constant 0 : i32
        %parallel_loop3A_493 = arith.cmpi eq, %parallel_loop3A_491, %parallel_loop3A_492 : i32
        %parallel_loop3A_494 = arith.constant 1 : i32
        %parallel_loop3A_495 = arith.select %parallel_loop3A_493, %parallel_loop3A_494, %parallel_loop3A_491 : i32
        %parallel_loop3A_496 = arith.remsi %parallel_loop3A_466, %parallel_loop3A_495 : i32
        %parallel_loop3A_497 = arith.constant 0 : i32
        %parallel_loop3A_498 = arith.cmpi ne, %parallel_loop3A_496, %parallel_loop3A_497 : i32
        %parallel_loop3A_499 = arith.constant 0 : i32
        %parallel_loop3A_500 = arith.cmpi slt, %parallel_loop3A_496, %parallel_loop3A_499 : i32
        %parallel_loop3A_501 = arith.constant 0 : i32
        %parallel_loop3A_502 = arith.cmpi slt, %parallel_loop3A_495, %parallel_loop3A_501 : i32
        %parallel_loop3A_503 = arith.xori %parallel_loop3A_500, %parallel_loop3A_502 : i1
        %parallel_loop3A_504 = arith.andi %parallel_loop3A_503, %parallel_loop3A_498 : i1
        %parallel_loop3A_505 = arith.addi %parallel_loop3A_496, %parallel_loop3A_495 : i32
        %parallel_loop3A_506 = arith.select %parallel_loop3A_504, %parallel_loop3A_505, %parallel_loop3A_496 : i32
        %parallel_loop3A_507 = arith.constant 16 : i32
        %parallel_loop3A_508 = arith.muli %parallel_loop3A_506, %parallel_loop3A_507 : i32
        %parallel_loop3A_509 = arith.index_cast %parallel_loop3A_490 : i32 to index
        %parallel_loop3A_510 = arith.index_cast %parallel_loop3A_508 : i32 to index
        %parallel_loop3A_511 = tpu.vector_load %arg6[%parallel_loop3A_509, %parallel_loop3A_510] {strides = array<i32>} : memref<8x1024xf32, #tpu.memory_space<vmem>>, vector<1x16xf32>,
        %parallel_loop3A_512 = vector.shape_cast %parallel_loop3A_511 : vector<1x16xf32> to vector<16xf32>
        %parallel_loop3A_513 = arith.index_cast %parallel_loop3A_490 : i32 to index
        %parallel_loop3A_514 = arith.index_cast %parallel_loop3A_508 : i32 to index
        %parallel_loop3A_515 = tpu.vector_load %arg14[%parallel_loop3A_513, %parallel_loop3A_514] {strides = array<i32>} : memref<8x1024xf32, #tpu.memory_space<vmem>>, vector<1x16xf32>,
        %parallel_loop3A_516 = vector.shape_cast %parallel_loop3A_515 : vector<1x16xf32> to vector<16xf32>
        %parallel_loop3A_517 = arith.addf %parallel_loop3A_512, %parallel_loop3A_516 : vector<16xf32>
        %parallel_loop3A_518 = arith.index_cast %parallel_loop3A_490 : i32 to index
        %parallel_loop3A_519 = arith.index_cast %parallel_loop3A_508 : i32 to index
        %parallel_loop3A_520 = tpu.vector_load %arg10[%parallel_loop3A_518, %parallel_loop3A_519] {strides = array<i32>} : memref<8x1024xf32, #tpu.memory_space<vmem>>, vector<1x16xf32>,
        %parallel_loop3A_521 = vector.shape_cast %parallel_loop3A_520 : vector<1x16xf32> to vector<16xf32>
        %parallel_loop3A_522 = vector.shape_cast %parallel_loop3A_517 : vector<16xf32> to vector<1x16xf32>
        tpu.vector_store %arg10[%parallel_loop3A_518, %parallel_loop3A_519], %parallel_loop3A_522 {strides = array<i32>} : memref<8x1024xf32, #tpu.memory_space<vmem>>, vector<1x16xf32>,
      } {sc.loop_unroll_factor = 4 : i64, sc.parallel_access}
      %mul3A_354 = arith.constant 8 : i32
      %mul3A_355 = arith.muli %add3A_330, %mul3A_354 : i32
      %add3A_356 = arith.addi %mul3A_2, %mul3A_355 : i32
      %dma_start3A_357 = arith.constant 1 : i32
      %dma_start3A_358 = arith.constant 0 : i32
      %dma_start3A_359 = tpu.memref_slice %arg4[%dma_start3A_357, %add3A_356, %dma_start3A_358] : memref<4x4096x1024xf32, #tpu.memory_space<hbm>> -> memref<1x8x1024xf32, #tpu.memory_space<hbm>>
      %dma_start3A_360 = tpu.memref_squeeze %dma_start3A_359 : memref<1x8x1024xf32, #tpu.memory_space<hbm>> -> memref<8x1024xf32, #tpu.memory_space<hbm>>
      %dma_start3A_361 = arith.constant 0 : i32
      %dma_start3A_362 = tpu.memref_slice %arg4[%dma_start3A_357, %add3A_356, %dma_start3A_361] : memref<4x4096x1024xf32, #tpu.memory_space<hbm>> -> memref<1x8x1024xf32, #tpu.memory_space<hbm>>
      %dma_start3A_363 = tpu.memref_squeeze %dma_start3A_362 : memref<1x8x1024xf32, #tpu.memory_space<hbm>> -> memref<8x1024xf32, #tpu.memory_space<hbm>>
      tpu.enqueue_dma source(%arg10 : memref<8x1024xf32, #tpu.memory_space<vmem>>) target(%dma_start3A_363 : memref<8x1024xf32, #tpu.memory_space<hbm>>) target_semaphore(%arg20 : memref<!tpu.dma_semaphore, #tpu.memory_space<semaphore_mem>>)
      %add3A_364 = arith.constant 1 : i32
      %add3A_365 = arith.addi %scan3A_90, %add3A_364 : i32
      %lt3A_366 = arith.constant 8 : i32
      %lt3A_367 = arith.cmpi slt, %add3A_365, %lt3A_366 : i32
      %convert_element_type3A_368 = arith.extui %lt3A_367 : i1 to i32
      %cond3A_369 = arith.constant 0 : i32
      %cond3A_370 = arith.cmpi ne, %convert_element_type3A_368, %cond3A_369 : i32
      scf.if %cond3A_370 {
        %add3A_466 = arith.constant 1 : i32
        %add3A_467 = arith.addi %add3A_330, %add3A_466 : i32
        %mul3A_468 = arith.constant 8 : i32
        %mul3A_469 = arith.muli %add3A_467, %mul3A_468 : i32
        %add3A_470 = arith.addi %mul3A_2, %mul3A_469 : i32
        %dma_start3A_471 = arith.constant 1 : i32
        %dma_start3A_472 = arith.constant 0 : i32
        %dma_start3A_473 = tpu.memref_slice %arg2[%dma_start3A_471, %add3A_470, %dma_start3A_472] : memref<4x4096x1024xf32, #tpu.memory_space<hbm>> -> memref<1x8x1024xf32, #tpu.memory_space<hbm>>
        %dma_start3A_474 = tpu.memref_squeeze %dma_start3A_473 : memref<1x8x1024xf32, #tpu.memory_space<hbm>> -> memref<8x1024xf32, #tpu.memory_space<hbm>>
        %dma_start3A_475 = arith.constant 0 : i32
        %dma_start3A_476 = tpu.memref_slice %arg2[%dma_start3A_471, %add3A_470, %dma_start3A_475] : memref<4x4096x1024xf32, #tpu.memory_space<hbm>> -> memref<1x8x1024xf32, #tpu.memory_space<hbm>>
        %dma_start3A_477 = tpu.memref_squeeze %dma_start3A_476 : memref<1x8x1024xf32, #tpu.memory_space<hbm>> -> memref<8x1024xf32, #tpu.memory_space<hbm>>
        tpu.enqueue_dma source(%dma_start3A_477 : memref<8x1024xf32, #tpu.memory_space<hbm>>) target(%arg6 : memref<8x1024xf32, #tpu.memory_space<vmem>>) target_semaphore(%arg16 : memref<!tpu.dma_semaphore, #tpu.memory_space<semaphore_mem>>)
      } else {
      }
      %mul3A_371 = arith.constant 2 : i32
      %mul3A_372 = arith.muli %mul3A_371, %scan3A_90 : i32
      %add3A_373 = arith.constant 1 : i32
      %add3A_374 = arith.addi %mul3A_372, %add3A_373 : i32
      %mul3A_375 = arith.constant 8 : i32
      %mul3A_376 = arith.muli %add3A_374, %mul3A_375 : i32
      %add3A_377 = arith.addi %mul3A_2, %mul3A_376 : i32
      %dma_wait3A_378 = arith.constant 2 : i32
      %dma_wait3A_379 = arith.constant 0 : i32
      %dma_wait3A_380 = tpu.memref_slice %arg2[%dma_wait3A_378, %add3A_377, %dma_wait3A_379] : memref<4x4096x1024xf32, #tpu.memory_space<hbm>> -> memref<1x8x1024xf32, #tpu.memory_space<hbm>>
      %dma_wait3A_381 = tpu.memref_squeeze %dma_wait3A_380 : memref<1x8x1024xf32, #tpu.memory_space<hbm>> -> memref<8x1024xf32, #tpu.memory_space<hbm>>
      %dma_wait3A_382 = arith.constant 0 : i32
      %dma_wait3A_383 = tpu.memref_slice %arg2[%dma_wait3A_378, %add3A_377, %dma_wait3A_382] : memref<4x4096x1024xf32, #tpu.memory_space<hbm>> -> memref<1x8x1024xf32, #tpu.memory_space<hbm>>
      %dma_wait3A_384 = tpu.memref_squeeze %dma_wait3A_383 : memref<1x8x1024xf32, #tpu.memory_space<hbm>> -> memref<8x1024xf32, #tpu.memory_space<hbm>>
      tpu.wait_dma2 semaphore(%arg17 : memref<!tpu.dma_semaphore, #tpu.memory_space<semaphore_mem>>) src(%dma_wait3A_384 : memref<8x1024xf32, #tpu.memory_space<hbm>>) dst(%arg7 : memref<8x1024xf32, #tpu.memory_space<vmem>>)
      %mul3A_385 = arith.constant 8 : i32
      %mul3A_386 = arith.muli %add3A_374, %mul3A_385 : i32
      %add3A_387 = arith.addi %mul3A_2, %mul3A_386 : i32
      %dma_wait3A_388 = arith.constant 2 : i32
      %dma_wait3A_389 = arith.constant 0 : i32
      %dma_wait3A_390 = tpu.memref_slice %arg4[%dma_wait3A_388, %add3A_387, %dma_wait3A_389] : memref<4x4096x1024xf32, #tpu.memory_space<hbm>> -> memref<1x8x1024xf32, #tpu.memory_space<hbm>>
      %dma_wait3A_391 = tpu.memref_squeeze %dma_wait3A_390 : memref<1x8x1024xf32, #tpu.memory_space<hbm>> -> memref<8x1024xf32, #tpu.memory_space<hbm>>
      %dma_wait3A_392 = arith.constant 0 : i32
      %dma_wait3A_393 = tpu.memref_slice %arg4[%dma_wait3A_388, %add3A_387, %dma_wait3A_392] : memref<4x4096x1024xf32, #tpu.memory_space<hbm>> -> memref<1x8x1024xf32, #tpu.memory_space<hbm>>
      %dma_wait3A_394 = tpu.memref_squeeze %dma_wait3A_393 : memref<1x8x1024xf32, #tpu.memory_space<hbm>> -> memref<8x1024xf32, #tpu.memory_space<hbm>>
      tpu.wait_dma2 semaphore(%arg21 : memref<!tpu.dma_semaphore, #tpu.memory_space<semaphore_mem>>) src(%arg11 : memref<8x1024xf32, #tpu.memory_space<vmem>>) dst(%dma_wait3A_394 : memref<8x1024xf32, #tpu.memory_space<hbm>>)
      %parallel_loop3A_395 = arith.constant 0 : i32
      %parallel_loop3A_396 = arith.constant 512 : i32
      %parallel_loop3A_397 = arith.constant 1 : i32
      scf.for %parallel_loop3A_466 = %parallel_loop3A_395 to %parallel_loop3A_396 step %parallel_loop3A_397  : i32 {
        %parallel_loop3A_467 = arith.constant 64 : i32
        %parallel_loop3A_468 = arith.divsi %parallel_loop3A_466, %parallel_loop3A_467 : i32
        %parallel_loop3A_469 = arith.constant 0 : i32
        %parallel_loop3A_470 = arith.cmpi sgt, %parallel_loop3A_466, %parallel_loop3A_469 : i32
        %parallel_loop3A_471 = arith.extui %parallel_loop3A_470 : i1 to i32
        %parallel_loop3A_472 = arith.constant 0 : i32
        %parallel_loop3A_473 = arith.cmpi slt, %parallel_loop3A_466, %parallel_loop3A_472 : i32
        %parallel_loop3A_474 = arith.extui %parallel_loop3A_473 : i1 to i32
        %parallel_loop3A_475 = arith.subi %parallel_loop3A_471, %parallel_loop3A_474 : i32
        %parallel_loop3A_476 = arith.constant 0 : i32
        %parallel_loop3A_477 = arith.cmpi sgt, %parallel_loop3A_467, %parallel_loop3A_476 : i32
        %parallel_loop3A_478 = arith.extui %parallel_loop3A_477 : i1 to i32
        %parallel_loop3A_479 = arith.constant 0 : i32
        %parallel_loop3A_480 = arith.cmpi slt, %parallel_loop3A_467, %parallel_loop3A_479 : i32
        %parallel_loop3A_481 = arith.extui %parallel_loop3A_480 : i1 to i32
        %parallel_loop3A_482 = arith.subi %parallel_loop3A_478, %parallel_loop3A_481 : i32
        %parallel_loop3A_483 = arith.cmpi ne, %parallel_loop3A_475, %parallel_loop3A_482 : i32
        %parallel_loop3A_484 = arith.remsi %parallel_loop3A_466, %parallel_loop3A_467 : i32
        %parallel_loop3A_485 = arith.constant 0 : i32
        %parallel_loop3A_486 = arith.cmpi ne, %parallel_loop3A_484, %parallel_loop3A_485 : i32
        %parallel_loop3A_487 = arith.andi %parallel_loop3A_483, %parallel_loop3A_486 : i1
        %parallel_loop3A_488 = arith.constant 1 : i32
        %parallel_loop3A_489 = arith.subi %parallel_loop3A_468, %parallel_loop3A_488 : i32
        %parallel_loop3A_490 = arith.select %parallel_loop3A_487, %parallel_loop3A_489, %parallel_loop3A_468 : i32
        %parallel_loop3A_491 = arith.constant 64 : i32
        %parallel_loop3A_492 = arith.constant 0 : i32
        %parallel_loop3A_493 = arith.cmpi eq, %parallel_loop3A_491, %parallel_loop3A_492 : i32
        %parallel_loop3A_494 = arith.constant 1 : i32
        %parallel_loop3A_495 = arith.select %parallel_loop3A_493, %parallel_loop3A_494, %parallel_loop3A_491 : i32
        %parallel_loop3A_496 = arith.remsi %parallel_loop3A_466, %parallel_loop3A_495 : i32
        %parallel_loop3A_497 = arith.constant 0 : i32
        %parallel_loop3A_498 = arith.cmpi ne, %parallel_loop3A_496, %parallel_loop3A_497 : i32
        %parallel_loop3A_499 = arith.constant 0 : i32
        %parallel_loop3A_500 = arith.cmpi slt, %parallel_loop3A_496, %parallel_loop3A_499 : i32
        %parallel_loop3A_501 = arith.constant 0 : i32
        %parallel_loop3A_502 = arith.cmpi slt, %parallel_loop3A_495, %parallel_loop3A_501 : i32
        %parallel_loop3A_503 = arith.xori %parallel_loop3A_500, %parallel_loop3A_502 : i1
        %parallel_loop3A_504 = arith.andi %parallel_loop3A_503, %parallel_loop3A_498 : i1
        %parallel_loop3A_505 = arith.addi %parallel_loop3A_496, %parallel_loop3A_495 : i32
        %parallel_loop3A_506 = arith.select %parallel_loop3A_504, %parallel_loop3A_505, %parallel_loop3A_496 : i32
        %parallel_loop3A_507 = arith.constant 16 : i32
        %parallel_loop3A_508 = arith.muli %parallel_loop3A_506, %parallel_loop3A_507 : i32
        %parallel_loop3A_509 = arith.index_cast %parallel_loop3A_490 : i32 to index
        %parallel_loop3A_510 = arith.index_cast %parallel_loop3A_508 : i32 to index
        %parallel_loop3A_511 = tpu.vector_load %arg7[%parallel_loop3A_509, %parallel_loop3A_510] {strides = array<i32>} : memref<8x1024xf32, #tpu.memory_space<vmem>>, vector<1x16xf32>,
        %parallel_loop3A_512 = vector.shape_cast %parallel_loop3A_511 : vector<1x16xf32> to vector<16xf32>
        %parallel_loop3A_513 = arith.index_cast %parallel_loop3A_490 : i32 to index
        %parallel_loop3A_514 = arith.index_cast %parallel_loop3A_508 : i32 to index
        %parallel_loop3A_515 = tpu.vector_load %arg14[%parallel_loop3A_513, %parallel_loop3A_514] {strides = array<i32>} : memref<8x1024xf32, #tpu.memory_space<vmem>>, vector<1x16xf32>,
        %parallel_loop3A_516 = vector.shape_cast %parallel_loop3A_515 : vector<1x16xf32> to vector<16xf32>
        %parallel_loop3A_517 = arith.addf %parallel_loop3A_512, %parallel_loop3A_516 : vector<16xf32>
        %parallel_loop3A_518 = arith.index_cast %parallel_loop3A_490 : i32 to index
        %parallel_loop3A_519 = arith.index_cast %parallel_loop3A_508 : i32 to index
        %parallel_loop3A_520 = tpu.vector_load %arg11[%parallel_loop3A_518, %parallel_loop3A_519] {strides = array<i32>} : memref<8x1024xf32, #tpu.memory_space<vmem>>, vector<1x16xf32>,
        %parallel_loop3A_521 = vector.shape_cast %parallel_loop3A_520 : vector<1x16xf32> to vector<16xf32>
        %parallel_loop3A_522 = vector.shape_cast %parallel_loop3A_517 : vector<16xf32> to vector<1x16xf32>
        tpu.vector_store %arg11[%parallel_loop3A_518, %parallel_loop3A_519], %parallel_loop3A_522 {strides = array<i32>} : memref<8x1024xf32, #tpu.memory_space<vmem>>, vector<1x16xf32>,
      } {sc.loop_unroll_factor = 4 : i64, sc.parallel_access}
      %mul3A_398 = arith.constant 8 : i32
      %mul3A_399 = arith.muli %add3A_374, %mul3A_398 : i32
      %add3A_400 = arith.addi %mul3A_2, %mul3A_399 : i32
      %dma_start3A_401 = arith.constant 2 : i32
      %dma_start3A_402 = arith.constant 0 : i32
      %dma_start3A_403 = tpu.memref_slice %arg4[%dma_start3A_401, %add3A_400, %dma_start3A_402] : memref<4x4096x1024xf32, #tpu.memory_space<hbm>> -> memref<1x8x1024xf32, #tpu.memory_space<hbm>>
      %dma_start3A_404 = tpu.memref_squeeze %dma_start3A_403 : memref<1x8x1024xf32, #tpu.memory_space<hbm>> -> memref<8x1024xf32, #tpu.memory_space<hbm>>
      %dma_start3A_405 = arith.constant 0 : i32
      %dma_start3A_406 = tpu.memref_slice %arg4[%dma_start3A_401, %add3A_400, %dma_start3A_405] : memref<4x4096x1024xf32, #tpu.memory_space<hbm>> -> memref<1x8x1024xf32, #tpu.memory_space<hbm>>
      %dma_start3A_407 = tpu.memref_squeeze %dma_start3A_406 : memref<1x8x1024xf32, #tpu.memory_space<hbm>> -> memref<8x1024xf32, #tpu.memory_space<hbm>>
      tpu.enqueue_dma source(%arg11 : memref<8x1024xf32, #tpu.memory_space<vmem>>) target(%dma_start3A_407 : memref<8x1024xf32, #tpu.memory_space<hbm>>) target_semaphore(%arg21 : memref<!tpu.dma_semaphore, #tpu.memory_space<semaphore_mem>>)
      %add3A_408 = arith.constant 1 : i32
      %add3A_409 = arith.addi %scan3A_90, %add3A_408 : i32
      %lt3A_410 = arith.constant 8 : i32
      %lt3A_411 = arith.cmpi slt, %add3A_409, %lt3A_410 : i32
      %convert_element_type3A_412 = arith.extui %lt3A_411 : i1 to i32
      %cond3A_413 = arith.constant 0 : i32
      %cond3A_414 = arith.cmpi ne, %convert_element_type3A_412, %cond3A_413 : i32
      scf.if %cond3A_414 {
        %add3A_466 = arith.constant 1 : i32
        %add3A_467 = arith.addi %add3A_374, %add3A_466 : i32
        %mul3A_468 = arith.constant 8 : i32
        %mul3A_469 = arith.muli %add3A_467, %mul3A_468 : i32
        %add3A_470 = arith.addi %mul3A_2, %mul3A_469 : i32
        %dma_start3A_471 = arith.constant 2 : i32
        %dma_start3A_472 = arith.constant 0 : i32
        %dma_start3A_473 = tpu.memref_slice %arg2[%dma_start3A_471, %add3A_470, %dma_start3A_472] : memref<4x4096x1024xf32, #tpu.memory_space<hbm>> -> memref<1x8x1024xf32, #tpu.memory_space<hbm>>
        %dma_start3A_474 = tpu.memref_squeeze %dma_start3A_473 : memref<1x8x1024xf32, #tpu.memory_space<hbm>> -> memref<8x1024xf32, #tpu.memory_space<hbm>>
        %dma_start3A_475 = arith.constant 0 : i32
        %dma_start3A_476 = tpu.memref_slice %arg2[%dma_start3A_471, %add3A_470, %dma_start3A_475] : memref<4x4096x1024xf32, #tpu.memory_space<hbm>> -> memref<1x8x1024xf32, #tpu.memory_space<hbm>>
        %dma_start3A_477 = tpu.memref_squeeze %dma_start3A_476 : memref<1x8x1024xf32, #tpu.memory_space<hbm>> -> memref<8x1024xf32, #tpu.memory_space<hbm>>
        tpu.enqueue_dma source(%dma_start3A_477 : memref<8x1024xf32, #tpu.memory_space<hbm>>) target(%arg7 : memref<8x1024xf32, #tpu.memory_space<vmem>>) target_semaphore(%arg17 : memref<!tpu.dma_semaphore, #tpu.memory_space<semaphore_mem>>)
      } else {
      }
      %mul3A_415 = arith.constant 2 : i32
      %mul3A_416 = arith.muli %mul3A_415, %scan3A_90 : i32
      %add3A_417 = arith.constant 1 : i32
      %add3A_418 = arith.addi %mul3A_416, %add3A_417 : i32
      %mul3A_419 = arith.constant 8 : i32
      %mul3A_420 = arith.muli %add3A_418, %mul3A_419 : i32
      %add3A_421 = arith.addi %mul3A_2, %mul3A_420 : i32
      %dma_wait3A_422 = arith.constant 3 : i32
      %dma_wait3A_423 = arith.constant 0 : i32
      %dma_wait3A_424 = tpu.memref_slice %arg2[%dma_wait3A_422, %add3A_421, %dma_wait3A_423] : memref<4x4096x1024xf32, #tpu.memory_space<hbm>> -> memref<1x8x1024xf32, #tpu.memory_space<hbm>>
      %dma_wait3A_425 = tpu.memref_squeeze %dma_wait3A_424 : memref<1x8x1024xf32, #tpu.memory_space<hbm>> -> memref<8x1024xf32, #tpu.memory_space<hbm>>
      %dma_wait3A_426 = arith.constant 0 : i32
      %dma_wait3A_427 = tpu.memref_slice %arg2[%dma_wait3A_422, %add3A_421, %dma_wait3A_426] : memref<4x4096x1024xf32, #tpu.memory_space<hbm>> -> memref<1x8x1024xf32, #tpu.memory_space<hbm>>
      %dma_wait3A_428 = tpu.memref_squeeze %dma_wait3A_427 : memref<1x8x1024xf32, #tpu.memory_space<hbm>> -> memref<8x1024xf32, #tpu.memory_space<hbm>>
      tpu.wait_dma2 semaphore(%arg18 : memref<!tpu.dma_semaphore, #tpu.memory_space<semaphore_mem>>) src(%dma_wait3A_428 : memref<8x1024xf32, #tpu.memory_space<hbm>>) dst(%arg8 : memref<8x1024xf32, #tpu.memory_space<vmem>>)
      %mul3A_429 = arith.constant 8 : i32
      %mul3A_430 = arith.muli %add3A_418, %mul3A_429 : i32
      %add3A_431 = arith.addi %mul3A_2, %mul3A_430 : i32
      %dma_wait3A_432 = arith.constant 3 : i32
      %dma_wait3A_433 = arith.constant 0 : i32
      %dma_wait3A_434 = tpu.memref_slice %arg4[%dma_wait3A_432, %add3A_431, %dma_wait3A_433] : memref<4x4096x1024xf32, #tpu.memory_space<hbm>> -> memref<1x8x1024xf32, #tpu.memory_space<hbm>>
      %dma_wait3A_435 = tpu.memref_squeeze %dma_wait3A_434 : memref<1x8x1024xf32, #tpu.memory_space<hbm>> -> memref<8x1024xf32, #tpu.memory_space<hbm>>
      %dma_wait3A_436 = arith.constant 0 : i32
      %dma_wait3A_437 = tpu.memref_slice %arg4[%dma_wait3A_432, %add3A_431, %dma_wait3A_436] : memref<4x4096x1024xf32, #tpu.memory_space<hbm>> -> memref<1x8x1024xf32, #tpu.memory_space<hbm>>
      %dma_wait3A_438 = tpu.memref_squeeze %dma_wait3A_437 : memref<1x8x1024xf32, #tpu.memory_space<hbm>> -> memref<8x1024xf32, #tpu.memory_space<hbm>>
      tpu.wait_dma2 semaphore(%arg22 : memref<!tpu.dma_semaphore, #tpu.memory_space<semaphore_mem>>) src(%arg12 : memref<8x1024xf32, #tpu.memory_space<vmem>>) dst(%dma_wait3A_438 : memref<8x1024xf32, #tpu.memory_space<hbm>>)
      %parallel_loop3A_439 = arith.constant 0 : i32
      %parallel_loop3A_440 = arith.constant 512 : i32
      %parallel_loop3A_441 = arith.constant 1 : i32
      scf.for %parallel_loop3A_466 = %parallel_loop3A_439 to %parallel_loop3A_440 step %parallel_loop3A_441  : i32 {
        %parallel_loop3A_467 = arith.constant 64 : i32
        %parallel_loop3A_468 = arith.divsi %parallel_loop3A_466, %parallel_loop3A_467 : i32
        %parallel_loop3A_469 = arith.constant 0 : i32
        %parallel_loop3A_470 = arith.cmpi sgt, %parallel_loop3A_466, %parallel_loop3A_469 : i32
        %parallel_loop3A_471 = arith.extui %parallel_loop3A_470 : i1 to i32
        %parallel_loop3A_472 = arith.constant 0 : i32
        %parallel_loop3A_473 = arith.cmpi slt, %parallel_loop3A_466, %parallel_loop3A_472 : i32
        %parallel_loop3A_474 = arith.extui %parallel_loop3A_473 : i1 to i32
        %parallel_loop3A_475 = arith.subi %parallel_loop3A_471, %parallel_loop3A_474 : i32
        %parallel_loop3A_476 = arith.constant 0 : i32
        %parallel_loop3A_477 = arith.cmpi sgt, %parallel_loop3A_467, %parallel_loop3A_476 : i32
        %parallel_loop3A_478 = arith.extui %parallel_loop3A_477 : i1 to i32
        %parallel_loop3A_479 = arith.constant 0 : i32
        %parallel_loop3A_480 = arith.cmpi slt, %parallel_loop3A_467, %parallel_loop3A_479 : i32
        %parallel_loop3A_481 = arith.extui %parallel_loop3A_480 : i1 to i32
        %parallel_loop3A_482 = arith.subi %parallel_loop3A_478, %parallel_loop3A_481 : i32
        %parallel_loop3A_483 = arith.cmpi ne, %parallel_loop3A_475, %parallel_loop3A_482 : i32
        %parallel_loop3A_484 = arith.remsi %parallel_loop3A_466, %parallel_loop3A_467 : i32
        %parallel_loop3A_485 = arith.constant 0 : i32
        %parallel_loop3A_486 = arith.cmpi ne, %parallel_loop3A_484, %parallel_loop3A_485 : i32
        %parallel_loop3A_487 = arith.andi %parallel_loop3A_483, %parallel_loop3A_486 : i1
        %parallel_loop3A_488 = arith.constant 1 : i32
        %parallel_loop3A_489 = arith.subi %parallel_loop3A_468, %parallel_loop3A_488 : i32
        %parallel_loop3A_490 = arith.select %parallel_loop3A_487, %parallel_loop3A_489, %parallel_loop3A_468 : i32
        %parallel_loop3A_491 = arith.constant 64 : i32
        %parallel_loop3A_492 = arith.constant 0 : i32
        %parallel_loop3A_493 = arith.cmpi eq, %parallel_loop3A_491, %parallel_loop3A_492 : i32
        %parallel_loop3A_494 = arith.constant 1 : i32
        %parallel_loop3A_495 = arith.select %parallel_loop3A_493, %parallel_loop3A_494, %parallel_loop3A_491 : i32
        %parallel_loop3A_496 = arith.remsi %parallel_loop3A_466, %parallel_loop3A_495 : i32
        %parallel_loop3A_497 = arith.constant 0 : i32
        %parallel_loop3A_498 = arith.cmpi ne, %parallel_loop3A_496, %parallel_loop3A_497 : i32
        %parallel_loop3A_499 = arith.constant 0 : i32
        %parallel_loop3A_500 = arith.cmpi slt, %parallel_loop3A_496, %parallel_loop3A_499 : i32
        %parallel_loop3A_501 = arith.constant 0 : i32
        %parallel_loop3A_502 = arith.cmpi slt, %parallel_loop3A_495, %parallel_loop3A_501 : i32
        %parallel_loop3A_503 = arith.xori %parallel_loop3A_500, %parallel_loop3A_502 : i1
        %parallel_loop3A_504 = arith.andi %parallel_loop3A_503, %parallel_loop3A_498 : i1
        %parallel_loop3A_505 = arith.addi %parallel_loop3A_496, %parallel_loop3A_495 : i32
        %parallel_loop3A_506 = arith.select %parallel_loop3A_504, %parallel_loop3A_505, %parallel_loop3A_496 : i32
        %parallel_loop3A_507 = arith.constant 16 : i32
        %parallel_loop3A_508 = arith.muli %parallel_loop3A_506, %parallel_loop3A_507 : i32
        %parallel_loop3A_509 = arith.index_cast %parallel_loop3A_490 : i32 to index
        %parallel_loop3A_510 = arith.index_cast %parallel_loop3A_508 : i32 to index
        %parallel_loop3A_511 = tpu.vector_load %arg8[%parallel_loop3A_509, %parallel_loop3A_510] {strides = array<i32>} : memref<8x1024xf32, #tpu.memory_space<vmem>>, vector<1x16xf32>,
        %parallel_loop3A_512 = vector.shape_cast %parallel_loop3A_511 : vector<1x16xf32> to vector<16xf32>
        %parallel_loop3A_513 = arith.index_cast %parallel_loop3A_490 : i32 to index
        %parallel_loop3A_514 = arith.index_cast %parallel_loop3A_508 : i32 to index
        %parallel_loop3A_515 = tpu.vector_load %arg14[%parallel_loop3A_513, %parallel_loop3A_514] {strides = array<i32>} : memref<8x1024xf32, #tpu.memory_space<vmem>>, vector<1x16xf32>,
        %parallel_loop3A_516 = vector.shape_cast %parallel_loop3A_515 : vector<1x16xf32> to vector<16xf32>
        %parallel_loop3A_517 = arith.addf %parallel_loop3A_512, %parallel_loop3A_516 : vector<16xf32>
        %parallel_loop3A_518 = arith.index_cast %parallel_loop3A_490 : i32 to index
        %parallel_loop3A_519 = arith.index_cast %parallel_loop3A_508 : i32 to index
        %parallel_loop3A_520 = tpu.vector_load %arg12[%parallel_loop3A_518, %parallel_loop3A_519] {strides = array<i32>} : memref<8x1024xf32, #tpu.memory_space<vmem>>, vector<1x16xf32>,
        %parallel_loop3A_521 = vector.shape_cast %parallel_loop3A_520 : vector<1x16xf32> to vector<16xf32>
        %parallel_loop3A_522 = vector.shape_cast %parallel_loop3A_517 : vector<16xf32> to vector<1x16xf32>
        tpu.vector_store %arg12[%parallel_loop3A_518, %parallel_loop3A_519], %parallel_loop3A_522 {strides = array<i32>} : memref<8x1024xf32, #tpu.memory_space<vmem>>, vector<1x16xf32>,
      } {sc.loop_unroll_factor = 4 : i64, sc.parallel_access}
      %mul3A_442 = arith.constant 8 : i32
      %mul3A_443 = arith.muli %add3A_418, %mul3A_442 : i32
      %add3A_444 = arith.addi %mul3A_2, %mul3A_443 : i32
      %dma_start3A_445 = arith.constant 3 : i32
      %dma_start3A_446 = arith.constant 0 : i32
      %dma_start3A_447 = tpu.memref_slice %arg4[%dma_start3A_445, %add3A_444, %dma_start3A_446] : memref<4x4096x1024xf32, #tpu.memory_space<hbm>> -> memref<1x8x1024xf32, #tpu.memory_space<hbm>>
      %dma_start3A_448 = tpu.memref_squeeze %dma_start3A_447 : memref<1x8x1024xf32, #tpu.memory_space<hbm>> -> memref<8x1024xf32, #tpu.memory_space<hbm>>
      %dma_start3A_449 = arith.constant 0 : i32
      %dma_start3A_450 = tpu.memref_slice %arg4[%dma_start3A_445, %add3A_444, %dma_start3A_449] : memref<4x4096x1024xf32, #tpu.memory_space<hbm>> -> memref<1x8x1024xf32, #tpu.memory_space<hbm>>
      %dma_start3A_451 = tpu.memref_squeeze %dma_start3A_450 : memref<1x8x1024xf32, #tpu.memory_space<hbm>> -> memref<8x1024xf32, #tpu.memory_space<hbm>>
      tpu.enqueue_dma source(%arg12 : memref<8x1024xf32, #tpu.memory_space<vmem>>) target(%dma_start3A_451 : memref<8x1024xf32, #tpu.memory_space<hbm>>) target_semaphore(%arg22 : memref<!tpu.dma_semaphore, #tpu.memory_space<semaphore_mem>>)
      %add3A_452 = arith.constant 1 : i32
      %add3A_453 = arith.addi %scan3A_90, %add3A_452 : i32
      %lt3A_454 = arith.constant 8 : i32
      %lt3A_455 = arith.cmpi slt, %add3A_453, %lt3A_454 : i32
      %convert_element_type3A_456 = arith.extui %lt3A_455 : i1 to i32
      %cond3A_457 = arith.constant 0 : i32
      %cond3A_458 = arith.cmpi ne, %convert_element_type3A_456, %cond3A_457 : i32
      scf.if %cond3A_458 {
        %add3A_466 = arith.constant 1 : i32
        %add3A_467 = arith.addi %add3A_418, %add3A_466 : i32
        %mul3A_468 = arith.constant 8 : i32
        %mul3A_469 = arith.muli %add3A_467, %mul3A_468 : i32
        %add3A_470 = arith.addi %mul3A_2, %mul3A_469 : i32
        %dma_start3A_471 = arith.constant 3 : i32
        %dma_start3A_472 = arith.constant 0 : i32
        %dma_start3A_473 = tpu.memref_slice %arg2[%dma_start3A_471, %add3A_470, %dma_start3A_472] : memref<4x4096x1024xf32, #tpu.memory_space<hbm>> -> memref<1x8x1024xf32, #tpu.memory_space<hbm>>
        %dma_start3A_474 = tpu.memref_squeeze %dma_start3A_473 : memref<1x8x1024xf32, #tpu.memory_space<hbm>> -> memref<8x1024xf32, #tpu.memory_space<hbm>>
        %dma_start3A_475 = arith.constant 0 : i32
        %dma_start3A_476 = tpu.memref_slice %arg2[%dma_start3A_471, %add3A_470, %dma_start3A_475] : memref<4x4096x1024xf32, #tpu.memory_space<hbm>> -> memref<1x8x1024xf32, #tpu.memory_space<hbm>>
        %dma_start3A_477 = tpu.memref_squeeze %dma_start3A_476 : memref<1x8x1024xf32, #tpu.memory_space<hbm>> -> memref<8x1024xf32, #tpu.memory_space<hbm>>
        tpu.enqueue_dma source(%dma_start3A_477 : memref<8x1024xf32, #tpu.memory_space<hbm>>) target(%arg8 : memref<8x1024xf32, #tpu.memory_space<vmem>>) target_semaphore(%arg18 : memref<!tpu.dma_semaphore, #tpu.memory_space<semaphore_mem>>)
      } else {
      }
      %add3A_459 = arith.constant 2 : i32
      %add3A_460 = arith.addi %add3A_418, %add3A_459 : i32
      %lt3A_461 = arith.constant 16 : i32
      %lt3A_462 = arith.cmpi slt, %add3A_460, %lt3A_461 : i32
      %convert_element_type3A_463 = arith.extui %lt3A_462 : i1 to i32
      %cond3A_464 = arith.constant 0 : i32
      %cond3A_465 = arith.cmpi ne, %convert_element_type3A_463, %cond3A_464 : i32
      scf.if %cond3A_465 {
        %add3A_466 = arith.constant 2 : i32
        %add3A_467 = arith.addi %add3A_418, %add3A_466 : i32
        %mul3A_468 = arith.constant 8 : i32
        %mul3A_469 = arith.muli %add3A_467, %mul3A_468 : i32
        %add3A_470 = arith.addi %mul3A_2, %mul3A_469 : i32
        %dma_start3A_471 = arith.constant 0 : i32
        %dma_start3A_472 = tpu.memref_slice %arg3[%add3A_470, %dma_start3A_471] : memref<4096x1024xf32, #tpu.memory_space<hbm>> -> memref<8x1024xf32, #tpu.memory_space<hbm>>
        %dma_start3A_473 = arith.constant 0 : i32
        %dma_start3A_474 = tpu.memref_slice %arg3[%add3A_470, %dma_start3A_473] : memref<4096x1024xf32, #tpu.memory_space<hbm>> -> memref<8x1024xf32, #tpu.memory_space<hbm>>
        tpu.enqueue_dma source(%dma_start3A_474 : memref<8x1024xf32, #tpu.memory_space<hbm>>) target(%arg14 : memref<8x1024xf32, #tpu.memory_space<vmem>>) target_semaphore(%arg24 : memref<!tpu.dma_semaphore, #tpu.memory_space<semaphore_mem>>)
      } else {
      }
    }
    %scan3A_54 = arith.constant 8 : i32
    %add3A_55 = arith.constant 120 : i32
    %add3A_56 = arith.addi %mul3A_2, %add3A_55 : i32
    %dma_wait3A = arith.constant 0 : i32
    %dma_wait3A_57 = arith.constant 0 : i32
    %dma_wait3A_58 = tpu.memref_slice %arg4[%dma_wait3A, %add3A_56, %dma_wait3A_57] : memref<4x4096x1024xf32, #tpu.memory_space<hbm>> -> memref<1x8x1024xf32, #tpu.memory_space<hbm>>
    %dma_wait3A_59 = tpu.memref_squeeze %dma_wait3A_58 : memref<1x8x1024xf32, #tpu.memory_space<hbm>> -> memref<8x1024xf32, #tpu.memory_space<hbm>>
    %dma_wait3A_60 = arith.constant 0 : i32
    %dma_wait3A_61 = tpu.memref_slice %arg4[%dma_wait3A, %add3A_56, %dma_wait3A_60] : memref<4x4096x1024xf32, #tpu.memory_space<hbm>> -> memref<1x8x1024xf32, #tpu.memory_space<hbm>>
    %dma_wait3A_62 = tpu.memref_squeeze %dma_wait3A_61 : memref<1x8x1024xf32, #tpu.memory_space<hbm>> -> memref<8x1024xf32, #tpu.memory_space<hbm>>
    tpu.wait_dma2 semaphore(%arg19 : memref<!tpu.dma_semaphore, #tpu.memory_space<semaphore_mem>>) src(%arg9 : memref<8x1024xf32, #tpu.memory_space<vmem>>) dst(%dma_wait3A_62 : memref<8x1024xf32, #tpu.memory_space<hbm>>)
    %add3A_63 = arith.constant 120 : i32
    %add3A_64 = arith.addi %mul3A_2, %add3A_63 : i32
    %dma_wait3A_65 = arith.constant 1 : i32
    %dma_wait3A_66 = arith.constant 0 : i32
    %dma_wait3A_67 = tpu.memref_slice %arg4[%dma_wait3A_65, %add3A_64, %dma_wait3A_66] : memref<4x4096x1024xf32, #tpu.memory_space<hbm>> -> memref<1x8x1024xf32, #tpu.memory_space<hbm>>
    %dma_wait3A_68 = tpu.memref_squeeze %dma_wait3A_67 : memref<1x8x1024xf32, #tpu.memory_space<hbm>> -> memref<8x1024xf32, #tpu.memory_space<hbm>>
    %dma_wait3A_69 = arith.constant 0 : i32
    %dma_wait3A_70 = tpu.memref_slice %arg4[%dma_wait3A_65, %add3A_64, %dma_wait3A_69] : memref<4x4096x1024xf32, #tpu.memory_space<hbm>> -> memref<1x8x1024xf32, #tpu.memory_space<hbm>>
    %dma_wait3A_71 = tpu.memref_squeeze %dma_wait3A_70 : memref<1x8x1024xf32, #tpu.memory_space<hbm>> -> memref<8x1024xf32, #tpu.memory_space<hbm>>
    tpu.wait_dma2 semaphore(%arg20 : memref<!tpu.dma_semaphore, #tpu.memory_space<semaphore_mem>>) src(%arg10 : memref<8x1024xf32, #tpu.memory_space<vmem>>) dst(%dma_wait3A_71 : memref<8x1024xf32, #tpu.memory_space<hbm>>)
    %add3A_72 = arith.constant 120 : i32
    %add3A_73 = arith.addi %mul3A_2, %add3A_72 : i32
    %dma_wait3A_74 = arith.constant 2 : i32
    %dma_wait3A_75 = arith.constant 0 : i32
    %dma_wait3A_76 = tpu.memref_slice %arg4[%dma_wait3A_74, %add3A_73, %dma_wait3A_75] : memref<4x4096x1024xf32, #tpu.memory_space<hbm>> -> memref<1x8x1024xf32, #tpu.memory_space<hbm>>
    %dma_wait3A_77 = tpu.memref_squeeze %dma_wait3A_76 : memref<1x8x1024xf32, #tpu.memory_space<hbm>> -> memref<8x1024xf32, #tpu.memory_space<hbm>>
    %dma_wait3A_78 = arith.constant 0 : i32
    %dma_wait3A_79 = tpu.memref_slice %arg4[%dma_wait3A_74, %add3A_73, %dma_wait3A_78] : memref<4x4096x1024xf32, #tpu.memory_space<hbm>> -> memref<1x8x1024xf32, #tpu.memory_space<hbm>>
    %dma_wait3A_80 = tpu.memref_squeeze %dma_wait3A_79 : memref<1x8x1024xf32, #tpu.memory_space<hbm>> -> memref<8x1024xf32, #tpu.memory_space<hbm>>
    tpu.wait_dma2 semaphore(%arg21 : memref<!tpu.dma_semaphore, #tpu.memory_space<semaphore_mem>>) src(%arg11 : memref<8x1024xf32, #tpu.memory_space<vmem>>) dst(%dma_wait3A_80 : memref<8x1024xf32, #tpu.memory_space<hbm>>)
    %add3A_81 = arith.constant 120 : i32
    %add3A_82 = arith.addi %mul3A_2, %add3A_81 : i32
    %dma_wait3A_83 = arith.constant 3 : i32
    %dma_wait3A_84 = arith.constant 0 : i32
    %dma_wait3A_85 = tpu.memref_slice %arg4[%dma_wait3A_83, %add3A_82, %dma_wait3A_84] : memref<4x4096x1024xf32, #tpu.memory_space<hbm>> -> memref<1x8x1024xf32, #tpu.memory_space<hbm>>
    %dma_wait3A_86 = tpu.memref_squeeze %dma_wait3A_85 : memref<1x8x1024xf32, #tpu.memory_space<hbm>> -> memref<8x1024xf32, #tpu.memory_space<hbm>>
    %dma_wait3A_87 = arith.constant 0 : i32
    %dma_wait3A_88 = tpu.memref_slice %arg4[%dma_wait3A_83, %add3A_82, %dma_wait3A_87] : memref<4x4096x1024xf32, #tpu.memory_space<hbm>> -> memref<1x8x1024xf32, #tpu.memory_space<hbm>>
    %dma_wait3A_89 = tpu.memref_squeeze %dma_wait3A_88 : memref<1x8x1024xf32, #tpu.memory_space<hbm>> -> memref<8x1024xf32, #tpu.memory_space<hbm>>
    tpu.wait_dma2 semaphore(%arg22 : memref<!tpu.dma_semaphore, #tpu.memory_space<semaphore_mem>>) src(%arg12 : memref<8x1024xf32, #tpu.memory_space<vmem>>) dst(%dma_wait3A_89 : memref<8x1024xf32, #tpu.memory_space<hbm>>)
    return
  }
}

</mosaic_0001>

<sc_bundles>
// kernel: kernel.3.cloned.1.call-start
scs
__scs_entry_jumppad:
0x0: {  	(pc) =	sbr.rel $0x88, $3  }
0x1: {  	(tag) =	ssettag $0x0;
	lr =	simm.s32 $0x1  }
0x2: {  	[smem:$0x3F9F] =	sst lr;
	_ =	strace $0xD0000000  }
0x3: {  	_ = 	snop  }
0x4: {  	_ = 	snop  }
0x5: {  	_ = 	snop  }
0x6: {  	_ = 	snop  }
0x7: {  	_ = 	snop  }
__scs_overlays_trampoline_lowered:
0x8: {  	[smem:$0x3FAE] =	sst s0  }
0x9: {  	[smem:$0x3FAF] =	sst s1  }
0xa: {  	[smem:$0x3FB0] =	sst s2  }
0xb: {  	[smem:$0x3FB1] =	sst s3  }
0xc: {  	[smem:$0x3FB2] =	sst s4  }
0xd: {  	[smem:$0x3FB3] =	sst s5  }
0xe: {  	[smem:$0x3FB4] =	sst s6  }
0xf: {  	[smem:$0x3FB5] =	sst s7  }
0x10: {  	[smem:$0x3FB6] =	sst s8  }
0x11: {  	[smem:$0x3FB7] =	sst s9;
	s0 =	simm.s32 @!p0 $0x0  }
0x12: {  	s1 =	sld [smem:$0x3F9D];
	s0 =	simm.s32 @p0 $0x1  }
0x13: {  	[smem:$0x3FB8] =	sst s0;
	s0 =	simm.s32 @!p1 $0x0  }
0x14: {  	s2 =	sld [smem:$0x3F9C];
	s0 =	simm.s32 @p1 $0x1  }
0x15: {  	[smem:$0x3FB9] =	sst s0;
	s0 =	simm.s32 @!p2 $0x0  }
0x16: {  	s3 =	sld [smem:$0x3FDB];
	s0 =	simm.s32 @p2 $0x1  }
0x17: {  	s4 =	simm.s32 $0x1BF5;
	[smem:$0x3FBB] =	sst s0  }
0x18: {  	s0 =	sld [smem:$0x3F9E];
	_ =	swait.ge [sflag:s4], $0x0  }
0x19: {  	s7 =	sld [smem:$0x3F9F]  }
0x1a: {  	s8 =	sadd.s32 $0xFFFFE003, lr  }
0x1b: {  	s9 =	sadd.s32 $0xFFFFFEF7, lr;
	s5 =	simm.s32 $0xFFFFFFFF;
	p2 =	slt.u32 s8, $0xFFFFF086  }
0x1c: {  	p1 =	slt.u32 s9, $0xF7A;
	s5 =	simm.s32 @!p2 $0x0  }
0x1d: {  	s5 =	simm.s32 @p1 $0x1;
	p0 =	seq.s32 s7, s2  }
0x1e: {  	s7 =	smul.u32 @!p0 $0xF7A, s2;
	p2 =	seq.s32 @!p0 s5, $0x0  }
0x1f: {  	s9 =	smul.u32 $0xF7A, s1;
	s8 =	simm.s32 @!p0 $0x1BF5;
	p2 =	por !p2, p0  }
0x20: {  	[sflag:s8] =	ssyncset.s32 @!p0 $0xFFFFF086;
	s6 =	sadd.s32 @!p0 s3, s7;
	s7 =	simm.s32 @!p0 $0x108  }
0x21: {  	s3 =	sadd.s32 s3, s9;
	s6 =	sadd.s32 @!p0 $0x88, s6;
	s7 =	simm.s32 @p2 $0x1082  }
0x22: {  	[simem:s7], [sflag:s8] =	dma.local @!p0 [hbm:s6], $0xF7A  }
0x23: {  	s9 =	sor.u32 $0xD0000000, s2;
	s6 =	simm.s32 $0x108;
	_ =	swait.ge @!p0 [sflag:s8], $0x0  }
0x24: {  	s3 =	sadd.s32 $0x88, s3;
	s6 =	simm.s32 @!p1 $0x1082;
	[sflag:s4] =	ssyncset.s32 $0xFFFFF086  }
0x25: {  	[simem:s6], [sflag:s4] =	dma.local [hbm:s3], $0xF7A  }
0x26: {  	[smem:$0x3F9F] =	sst s1;
	(tag) =	ssettag s2;
	_ =	strace s9  }
0x27: {  	s1 =	sld [smem:$0x3FAF]  }
0x28: {  	s2 =	sld [smem:$0x3FB0]  }
0x29: {  	s4 =	sld [smem:$0x3FB2]  }
0x2a: {  	p0 =	seq.s32 s5, $0x0;
	s5 =	sld [smem:$0x3FB3]  }
0x2b: {  	s6 =	sld [smem:$0x3FB4]  }
0x2c: {  	s7 =	sld [smem:$0x3FB5]  }
0x2d: {  	s3 =	simm.s32 $0x108;
	s8 =	sld [smem:$0x3FB6]  }
0x2e: {  	s3 =	simm.s32 @!p0 $0x1082;
	s9 =	sld [smem:$0x3FB7]  }
0x2f: {  	lr =	sadd.s32 s0, s3;
	s0 =	sld [smem:$0x3FAE]  }
0x30: {  	s3 =	sld [smem:$0x3FB1]  }
0x31: {  	[smem:$0x3FBA] =	sst s10  }
0x32: {  	s10 =	sld [smem:$0x3FB8];
	_ =	sdelay $0x3  }
0x33: {  	p0 =	seq.s32 s10, $0x1;
	s10 =	sld [smem:$0x3FBA];
	_ =	sdelay $0x3  }
0x34: {  	[smem:$0x3FBA] =	sst s10  }
0x35: {  	s10 =	sld [smem:$0x3FB9];
	_ =	sdelay $0x3  }
0x36: {  	p1 =	seq.s32 s10, $0x1;
	s10 =	sld [smem:$0x3FBA];
	_ =	sdelay $0x3  }
0x37: {  	[smem:$0x3FBA] =	sst s10  }
0x38: {  	s10 =	sld [smem:$0x3FBB]  }
0x39: {  	_ = 	snop;
	(pc) =	sbr.ind lr, $3  }
0x3a: {  	_ = 	snop  }
0x3b: {  	_ = 	snop  }
0x3c: {  	p2 =	seq.s32 s10, $0x1;
	s10 =	sld [smem:$0x3FBA]  }
0x3d: {  	_ =	shalt  }
0x3e: {  	_ =	shalt  }
0x3f: {  	_ =	shalt  }
0x40: {  	_ =	shalt  }
0x41: {  	_ =	shalt  }
0x42: {  	_ =	shalt  }
0x43: {  	_ =	shalt  }
0x44: {  	_ =	shalt  }
0x45: {  	_ =	shalt  }
0x46: {  	_ =	shalt  }
0x47: {  	_ =	shalt  }
0x48: {  	_ =	shalt  }
0x49: {  	_ =	shalt  }
0x4a: {  	_ =	shalt  }
0x4b: {  	_ =	shalt  }
0x4c: {  	_ =	shalt  }
0x4d: {  	_ =	shalt  }
0x4e: {  	_ =	shalt  }
0x4f: {  	_ =	shalt  }
0x50: {  	_ =	shalt  }
0x51: {  	_ =	shalt  }
0x52: {  	_ =	shalt  }
0x53: {  	_ =	shalt  }
0x54: {  	_ =	shalt  }
0x55: {  	_ =	shalt  }
0x56: {  	_ =	shalt  }
0x57: {  	_ =	shalt  }
0x58: {  	_ =	shalt  }
0x59: {  	_ =	shalt  }
0x5a: {  	_ =	shalt  }
0x5b: {  	_ =	shalt  }
0x5c: {  	_ =	shalt  }
0x5d: {  	_ =	shalt  }
0x5e: {  	_ =	shalt  }
0x5f: {  	_ =	shalt  }
0x60: {  	_ =	shalt  }
0x61: {  	_ =	shalt  }
0x62: {  	_ =	shalt  }
0x63: {  	_ =	shalt  }
0x64: {  	_ =	shalt  }
0x65: {  	_ =	shalt  }
0x66: {  	_ =	shalt  }
0x67: {  	_ =	shalt  }
0x68: {  	_ =	shalt  }
0x69: {  	_ =	shalt  }
0x6a: {  	_ =	shalt  }
0x6b: {  	_ =	shalt  }
0x6c: {  	_ =	shalt  }
0x6d: {  	_ =	shalt  }
0x6e: {  	_ =	shalt  }
0x6f: {  	_ =	shalt  }
0x70: {  	_ =	shalt  }
0x71: {  	_ =	shalt  }
0x72: {  	_ =	shalt  }
0x73: {  	_ =	shalt  }
0x74: {  	_ =	shalt  }
0x75: {  	_ =	shalt  }
0x76: {  	_ =	shalt  }
0x77: {  	_ =	shalt  }
0x78: {  	_ =	shalt  }
0x79: {  	_ =	shalt  }
0x7a: {  	_ =	shalt  }
0x7b: {  	_ =	shalt  }
0x7c: {  	_ =	shalt  }
0x7d: {  	_ =	shalt  }
0x7e: {  	_ =	shalt  }
0x7f: {  	_ =	shalt  }
0x80: {  	_ =	shalt  }
0x81: {  	_ =	shalt  }
0x82: {  	_ =	shalt  }
0x83: {  	_ =	shalt  }
0x84: {  	_ =	shalt  }
0x85: {  	_ =	shalt  }
0x86: {  	_ =	shalt  }
0x87: {  	_ =	shalt  }
.Lfunc_end0:
.L_simem_size_0:
called_computation_lowered:
.L_overlay_start_0:
0x88: {  	s2 =	sld [smem:$0x3FD9]  }
0x89: {  	s3 =	sld [smem:$0x3FFE];
	_ =	sdelay $0x1  }
0x8a: {  	s1 =	srdreg.scid  }
0x8b: {  	s0 =	sand.u32 $0x1, s1  }
0x8c: {  	s18 =	sshll.u32 s0, $0xA;
	s2 =	sadd.s32 s3, s2  }
0x8d: {  	s2 =	sadd.s32 s2, s18  }
0x8e: {  	[smem:$0x3FC6] =	sst s2  }
0x8f: {  	_ = 	snop  }
0x90: {  	s2 =	sld [smem:$0x3FC9]  }
0x91: {  	s19 =	sld [smem:$0x3FC8]  }
0x92: {  	s4 =	sld [smem:$0x3FD0];
	(tm) =	ssettm $0x1  }
0x93: {  	s5 =	sld [smem:$0x3FFB];
	_ =	sdelay $0x3  }
0x94: {  	_ =	strace s5  }
0x95: {  	s5 =	sld [smem:$0x3FFC];
	_ =	sdelay $0x3  }
0x96: {  	_ =	strace s5  }
0x97: {  	s5 =	sld [smem:$0x3FFD];
	_ =	sdelay $0x3  }
0x98: {  	_ =	strace s5  }
0x99: {  	_ =	strace $0x8FFFFFFF  }
0x9a: {  	s20 =	sld [smem:$0x3FDB];
	_ =	sdelay $0x1  }
0x9b: {  	s6 =	simm.s32 $_scs_section_size  }
0x9c: {  	s7 =	simm.s32 $_size__tile_overlayer_lowered;
	s8 =	simm.s32 $_tile_overlayer_lowered  }
0x9d: {  	s23 =	simm.s32 $0x1BFF;
	s22 =	sshll.u32 s8, $0x1;
	s5 =	sadd.s32 s6, s20  }
0x9e: {  	s9 =	simm.s32 $0x0;
	s21 =	sshll.u32 s7, $0x1;
	s7 =	sadd.s32 s22, s5  }
0x9f: {  	[timem:s9], [sflag:s23] =	dma.local [hbm:s7], s21  }
0xa0: {  	_ =	swait.ge [sflag:s23], s21  }
0xa1: {  	s6 =	ssub.s32 $0x0, s21;
	[sflag:s23] =	ssyncset.done $0x0  }
0xa2: {  	[sflag:s23] =	ssyncadd.s32 s6;
	_ =	sdelay $0x1  }
0xa3: {  	s24 =	simm.s32 $0x1B8B  }
0xa4: {  	_ =	swait.ge [sflag:s24], $0x1  }
0xa5: {  	[sflag:s24] =	ssyncset.done $0x0  }
0xa6: {  	s25 =	simm.s32 $0x1B8E;
	[sflag:s24] =	ssyncadd.s32 $0xFFFFFFFF  }
0xa7: {  	s26 =	simm.s32 $execute0_lowered;
	[smem:$0x3FD2] =	sst s25  }
0xa8: {  	s6 =	sshll.u32 s26, $0x1;
	_ =	strace $0x80000046;
	[dreg:$0x1] =	wrdreg $0xFFFFFFFF  }
0xa9: {  	s28 =	simm.s32 $_size_execute0_lowered;
	s5 =	sadd.s32 s5, s6;
	[dreg:$0x0] =	wrdreg $0x0  }
0xaa: {  	s6 =	sshll.u32 s28, $0x1;
	[dreg:$0x2] =	wrdreg s5  }
0xab: {  	[dreg:$0x3] =	wrdreg s6  }
0xac: {  	[dreg:$0x4] =	wrdreg $0xC0  }
0xad: {  	_ =	task [dreg:s9], $0x5FFFF  }
0xae: {  	[dreg:$0x1] =	wrdreg $0xFFFFFFFF  }
0xaf: {  	[dreg:$0x0] =	wrdreg $0x60  }
0xb0: {  	[dreg:$0x2] =	wrdreg s2  }
0xb1: {  	[dreg:$0x3] =	wrdreg s19  }
0xb2: {  	[dreg:$0x4] =	wrdreg s4  }
0xb3: {  	[dreg:$0x5] =	wrdreg $0x9  }
0xb4: {  	_ =	task.clear_ibuf [dreg:s9], $0x6FFFF;
	_ =	strace $0x90000046  }
0xb5: {  	s29 =	simm.s32 $0x9;
	_ =	strace $0x80000048  }
0xb6: {  	_ =	swait.ge [sflag:s29], $0x1  }
0xb7: {  	[sflag:s29] =	ssyncadd.s32 $0xFFFFFFFF  }
0xb8: {  	_ =	strace $0x90000048  }
0xb9: {  	_ =	sfence  }
0xba: {  	s30 =	sld [smem:$0x0];
	_ =	sdelay $0x2  }
0xbb: {  	s31 =	sshll.u32 s1, $0xD;
	s1 =	sshrl.u32 s1, $0x2  }
0xbc: {  	s3 =	sand.u32 $0x4000, s31;
	s1 =	sadd.s32 s1, s30  }
0xbd: {  	s0 =	sor.u32 s3, s0;
	s1 =	sshll.u32 s1, $0x11  }
0xbe: {  	s0 =	sor.u32 s1, s0  }
0xbf: {  	s0 =	sadd.s32 $0x8F2B, s0  }
0xc0: {  	[sflag:s0] =	ssyncadd.remote.s32 $0x1  }
0xc1: {  	_ =	sfence.sel $0xFFFF  }
0xc2: {  	[dreg:$0x0] =	wrdreg $0xFFFFFFFF;
	(pc) =	sbr.abs _section_cstart, $3  }
0xc3: {  	[dreg:$0x1] =	wrdreg $0xFFFFFFFF  }
0xc4: {  	_ =	task.clear_ibuf [dreg:s9], $0x2FFFF;
	_ =	strace $0x9FFFFFFF  }
0xc5: {  	(tm) =	ssettm $0x7FFFFFFF  }
tec
execute0_lowered:
.L_overlay_start_1:
0x0: {  	(tag) =	ssettag $0x1  }
0x1: {  	s1 =	rddreg [dreg:$0x0]  }
0x2: {  	s0 =	srdreg.scid;
	s24 =	rddreg [dreg:$0x1]  }
0x3: {  	s2 =	stileid.u32;
	s4 =	rddreg [dreg:$0x2]  }
0x4: {  	s5 =	simm.s32 $0x0;
	s29 =	simm.s32 $0x1;
	s30 =	simm.s32 $0x9  }
0x5: {  	s31 =	simm.s32 $0x8000;
	[smem:$0x7FF] =	sst s5;
	s19 =	sadd.s32 $0x80000, s1  }
0x6: {  	s20 =	sadd.s32 $0x100000, s1;
	_ =	strace $0x80000047;
	[dreg:$0x8] =	wrdreg s19  }
0x7: {  	s0 =	sand.u32 $0x1, s0;
	s8 =	sadd.s32 $0x180000, s1;
	[dreg:$0x9] =	wrdreg s20  }
0x8: {  	s2 =	sshll.u32 s2, $0x8;
	s23 =	sadd.s32 $0x80000, s4;
	[dreg:$0xa] =	wrdreg s8  }
0x9: {  	s25 =	sadd.s32 $0x100000, s4;
	s3 =	sshll.u32 s0, $0x7;
	[dreg:$0xe] =	wrdreg s23  }
0xa: {  	s26 =	sadd.s32 $0x180000, s4;
	[dreg:$0xf] =	wrdreg s25;
	s2 =	sor.u32 s3, s2  }
0xb: {  	[dreg:$0x11] =	wrdreg s26;
	s6 =	sshll.u32 s2, $0x7;
	s2 =	sshrl.u32 s2, $0x3  }
0xc: {  	s9 =	simm.s32 $0xE000;
	s13 =	simm.s32 $0xA;
	[dreg:$0x10] =	wrdreg s2  }
0xd: {  	s14 =	simm.s32 $0x5;
	s7 =	sadd.s32 s24, s6;
	[dreg:$0x4] =	wrdreg s6  }
0xe: {  	s15 =	simm.s32 $0x6;
	s18 =	sadd.s32 s1, s6;
	[dreg:$0x5] =	wrdreg s7  }
0xf: {  	s0 =	ssub.s32 $0x2, s0;
	s3 =	sadd.s32 s6, s19;
	[dreg:$0x7] =	wrdreg s18  }
0x10: {  	s23 =	simm.s32 $0x3;
	s21 =	sadd.s32 s6, s20;
	[dreg:$0xb] =	wrdreg s3  }
0x11: {  	s16 =	sshrl.u32 s0, $0x1;
	s22 =	sadd.s32 s6, s8;
	[dreg:$0xc] =	wrdreg s21  }
0x12: {  	s0 =	ssub.s32 s0, s16;
	s2 =	sor.u32 $0x3, s2;
	[dreg:$0xd] =	wrdreg s22  }
0x13: {  	s0 =	smax.u32 s0, $0x1;
	s28 =	sor.u32 $0x400, s6;
	[dreg:$0x12] =	wrdreg s2  }
0x14: {  	s8 =	simm.s32 $0x4;
	s17 =	sadd.s32 $0x400, s7;
	[dreg:$0x13] =	wrdreg s0  }
0x15: {  	[dreg:$0x14] =	wrdreg s28;
	s2 =	simm.s32 $0x2;
	s21 =	simm.s32 $0x7  }
0x16: {  	s7 =	simm.s32 $0x8;
	s3 =	simm.s32 $0x0;
	[dreg:$0x6] =	wrdreg s17  }
.LBB2_1:
0x17: {  	[dreg:$0x15] =	wrdreg s3  }
0x18: {  	s0 =	rddreg [dreg:$0x5];
	s12 =	simm.s32 $0x10000  }
0x19: {  	[tilespmem:s12], [sflag:$0x9] =	stream.linear.gather [hbm4b:s0+s5], $0x2000, $0x38;
	[tilespmem:$0x14000] =	vst v63  }
0x1a: {  	s16 =	rddreg [dreg:$0x6];
	s17 =	simm.s32 $0x12000  }
0x1b: {  	[tilespmem:s17], [sflag:$0xA] =	stream.linear.gather [hbm4b:s16+s5], $0x2000, $0x38;
	[tilespmem:$0x14000] =	vst v63  }
0x1c: {  	s18 =	rddreg [dreg:$0x7]  }
0x1d: {  	[tilespmem:s5], [sflag:$0x1] =	stream.linear.gather [hbm4b:s18+s5], $0x2000, $0x38;
	[tilespmem:$0x14000] =	vst v63  }
0x1e: {  	s19 =	rddreg [dreg:$0xb];
	s20 =	simm.s32 $0x2000  }
0x1f: {  	[tilespmem:s20], [sflag:$0x2] =	stream.linear.gather [hbm4b:s19+s5], $0x2000, $0x38;
	[tilespmem:$0x14000] =	vst v63  }
0x20: {  	s22 =	rddreg [dreg:$0xc];
	s25 =	simm.s32 $0x4000  }
0x21: {  	[tilespmem:s25], [sflag:$0x3] =	stream.linear.gather [hbm4b:s22+s5], $0x2000, $0x38;
	[tilespmem:$0x14000] =	vst v63  }
0x22: {  	s26 =	rddreg [dreg:$0xd];
	s28 =	simm.s32 $0x6000;
	s25 =	simm.s32 $0x0  }
0x23: {  	[tilespmem:s28], [sflag:$0x4] =	stream.linear.gather [hbm4b:s26+s5], $0x2000, $0x38;
	[tilespmem:$0x14000] =	vst v63  }
.LBB2_2:
0x24: {  	_ =	swait.ge [sflag:s29], $0x2000  }
0x25: {  	[sflag:s29] =	ssyncset.done $0x0  }
0x26: {  	[sflag:s29] =	ssyncadd.s32 $0xFFFFE000  }
0x27: {  	_ =	swait.ge [sflag:s30], $0x2000  }
0x28: {  	p0 =	seq.s32 s25, $0x0;
	[sflag:s30] =	ssyncset.done $0x0  }
0x29: {  	s6 =	simm.s32 $0x0;
	s3 =	simm.s32 @!p0 $0x5;
	[sflag:s30] =	ssyncadd.s32 $0xFFFFE000  }
0x2a: {  	s10 =	sand.u32 $0x1C00, s6;
	s11 =	sand.u32 $0x380, s6;
	_ =	swait.ge @!p0 [sflag:s3], $0x2000  }
0x2b: {  	s6 =	sand.u32 $0x40, s6;
	s10 =	sor.u32 s11, s10;
	[sflag:s3] =	ssyncset.done @!p0 $0x0  }
0x2c: {  	[sflag:s3] =	ssyncadd.s32 @!p0 $0xFFFFE000;
	s3 =	sor.u32 s6, s10  }
0x2d: {  	v0 =	vld [tilespmem:s3+$0x30]  }
0x2e: {  	v1 =	vld [tilespmem:s3+$0x10030]  }
0x2f: {  	v2 =	vld [tilespmem:s3+$0x0]  }
0x30: {  	v3 =	vld [tilespmem:s3+$0x10000]  }
0x31: {  	s22 =	simm.s32 $0x200;
	s26 =	simm.s32 $0x8;
	v4 =	vld [tilespmem:s3+$0x10]  }
0x32: {  	s28 =	sand.u32 $0x380, s26;
	s6 =	sand.u32 $0x1C00, s22;
	s10 =	simm.s32 $0x40;
	v5 =	vld [tilespmem:s3+$0x10010]  }
0x33: {  	s12 =	sand.u32 $0x40, s10;
	s6 =	sor.u32 s28, s6;
	v6 =	vld [tilespmem:s3+$0x20]  }
0x34: {  	v7 =	vld [tilespmem:s3+$0x10020];
	s6 =	sor.u32 s12, s6  }
0x35: {  	v0 =	vadd.f32 v1, v0;
	v1 =	vld [tilespmem:s6+$0x30]  }
0x36: {  	v2 =	vadd.f32 v3, v2;
	v3 =	vld [tilespmem:s6+$0x10030]  }
0x37: {  	v5 =	vadd.f32 v5, v4;
	v4 =	vld [tilespmem:s6+$0x10000];
	[tilespmem:s3+$0x8030] =	vst v0  }
0x38: {  	s16 =	simm.s32 $0x10;
	v0 =	vld [tilespmem:s6+$0x0];
	[tilespmem:s3+$0x8000] =	vst v2  }
0x39: {  	s26 =	sshll.u32 s25, $0x1;
	s11 =	simm.s32 $0x4;
	s12 =	simm.s32 $0x400;
	v2 =	vld [tilespmem:s6+$0x10];
	[tilespmem:s3+$0x8010] =	vst v5;
	v5 =	vadd.f32 v7, v6  }
.LBB2_3:
0x3a: {  	s17 =	sand.u32 $0x1C00, s12;
	s18 =	sand.u32 $0x380, s16;
	v6 =	vld [tilespmem:s6+$0x10010];
	s10 =	sadd.s32 $0x40, s10  }
0x3b: {  	s11 =	sadd.s32 $0x4, s11;
	s19 =	sand.u32 $0x40, s10;
	s17 =	sor.u32 s18, s17;
	v7 =	vld [tilespmem:s6+$0x20];
	v3 =	vadd.f32 v3, v1;
	[tilespmem:s3+$0x8020] =	vst v5  }
0x3c: {  	p1 =	slt.u32 s11, $0x1FC;
	s3 =	smov.u32 s6;
	v5 =	vld [tilespmem:s6+$0x10020];
	s6 =	sor.u32 s19, s17  }
.Ltmp0:
0x3d: {  	v1 =	vld [tilespmem:s6+$0x30];
	v4 =	vadd.f32 v4, v0;
	[tilespmem:s3+$0x8030] =	vst v3;
	(pc) =	sbr.rel @p1 .LBB2_3-.Ltmp0, $4  }
0x3e: {  	v3 =	vld [tilespmem:s6+$0x10030]  }
0x3f: {  	v0 =	vld [tilespmem:s6+$0x0];
	[tilespmem:s3+$0x8000] =	vst v4;
	v6 =	vadd.f32 v6, v2  }
0x40: {  	v4 =	vld [tilespmem:s6+$0x10000]  }
0x41: {  	s12 =	sadd.s32 $0x200, s12;
	s16 =	sadd.s32 $0x8, s16;
	v2 =	vld [tilespmem:s6+$0x10];
	[tilespmem:s3+$0x8010] =	vst v6;
	v5 =	vadd.f32 v5, v7  }
0x42: {  	v6 =	vld [tilespmem:s6+$0x10010]  }
0x43: {  	v7 =	vld [tilespmem:s6+$0x20]  }
0x44: {  	v8 =	vld [tilespmem:s6+$0x10020];
	_ =	sdelay $0x1  }
0x45: {  	v1 =	vadd.f32 v3, v1  }
0x46: {  	[tilespmem:s3+$0x8020] =	vst v5;
	v0 =	vadd.f32 v4, v0  }
0x47: {  	[tilespmem:s6+$0x8030] =	vst v1;
	v1 =	vadd.f32 v6, v2  }
0x48: {  	[tilespmem:s6+$0x8000] =	vst v0;
	v0 =	vadd.f32 v8, v7  }
0x49: {  	[tilespmem:s6+$0x8010] =	vst v1  }
0x4a: {  	s17 =	sshll.u32 s25, $0xB;
	s0 =	rddreg [dreg:$0x4];
	[tilespmem:s6+$0x8020] =	vst v0  }
0x4b: {  	s11 =	sadd.s32 s0, s17;
	s19 =	rddreg [dreg:$0x14]  }
0x4c: {  	s18 =	sadd.s32 s4, s11;
	s3 =	sadd.s32 s19, s17  }
0x4d: {  	[hbm4b:s18+s5] =	stream.linear.scatter [tilespmem:s31], [sflag:$0x5], $0x2000, $0x38;
	[tilespmem:$0x14000] =	vst v63  }
0x4e: {  	s20 =	sadd.s32 s1, s3  }
0x4f: {  	[tilespmem:s5], [sflag:$0x1] =	stream.linear.gather [hbm4b:s20+s5], $0x2000, $0x38;
	[tilespmem:$0x14000] =	vst v63  }
0x50: {  	_ =	swait.ge [sflag:s2], $0x2000  }
0x51: {  	[sflag:s2] =	ssyncset.done $0x0  }
0x52: {  	s10 =	simm.s32 $0x0;
	s6 =	simm.s32 @!p0 $0x6;
	[sflag:s2] =	ssyncadd.s32 $0xFFFFE000  }
0x53: {  	s12 =	sand.u32 $0x1C00, s10;
	s16 =	sand.u32 $0x380, s10;
	_ =	swait.ge @!p0 [sflag:s6], $0x2000  }
0x54: {  	s10 =	sand.u32 $0x40, s10;
	s12 =	sor.u32 s16, s12;
	[sflag:s6] =	ssyncset.done @!p0 $0x0  }
0x55: {  	[sflag:s6] =	ssyncadd.s32 @!p0 $0xFFFFE000;
	s6 =	sor.u32 s10, s12  }
0x56: {  	v0 =	vld [tilespmem:s6+$0x2030]  }
0x57: {  	v1 =	vld [tilespmem:s6+$0x10030]  }
0x58: {  	v2 =	vld [tilespmem:s6+$0x2000]  }
0x59: {  	v3 =	vld [tilespmem:s6+$0x10000]  }
0x5a: {  	s22 =	simm.s32 $0x200;
	s28 =	simm.s32 $0x8;
	v4 =	vld [tilespmem:s6+$0x2010]  }
0x5b: {  	s31 =	sand.u32 $0x380, s28;
	s10 =	sand.u32 $0x1C00, s22;
	s12 =	simm.s32 $0x40;
	v5 =	vld [tilespmem:s6+$0x10010]  }
0x5c: {  	s17 =	sand.u32 $0x40, s12;
	s10 =	sor.u32 s31, s10;
	v6 =	vld [tilespmem:s6+$0x2020]  }
0x5d: {  	v7 =	vld [tilespmem:s6+$0x10020];
	s10 =	sor.u32 s17, s10  }
0x5e: {  	v0 =	vadd.f32 v1, v0;
	v1 =	vld [tilespmem:s10+$0x2030]  }
0x5f: {  	v2 =	vadd.f32 v3, v2;
	v3 =	vld [tilespmem:s10+$0x10030]  }
0x60: {  	v5 =	vadd.f32 v5, v4;
	v4 =	vld [tilespmem:s10+$0x10000];
	[tilespmem:s6+$0xA030] =	vst v0  }
0x61: {  	v0 =	vld [tilespmem:s10+$0x2000];
	[tilespmem:s6+$0xA000] =	vst v2  }
0x62: {  	s16 =	simm.s32 $0x4;
	s18 =	simm.s32 $0x10;
	s17 =	simm.s32 $0x400;
	v2 =	vld [tilespmem:s10+$0x2010];
	[tilespmem:s6+$0xA010] =	vst v5;
	v5 =	vadd.f32 v7, v6  }
.LBB2_5:
0x63: {  	s19 =	sand.u32 $0x1C00, s17;
	s20 =	sand.u32 $0x380, s18;
	v6 =	vld [tilespmem:s10+$0x10010];
	s12 =	sadd.s32 $0x40, s12  }
0x64: {  	s16 =	sadd.s32 $0x4, s16;
	s22 =	sand.u32 $0x40, s12;
	s19 =	sor.u32 s20, s19;
	v7 =	vld [tilespmem:s10+$0x2020];
	v3 =	vadd.f32 v3, v1;
	[tilespmem:s6+$0xA020] =	vst v5  }
0x65: {  	p1 =	slt.u32 s16, $0x1FC;
	s6 =	smov.u32 s10;
	v5 =	vld [tilespmem:s10+$0x10020];
	s10 =	sor.u32 s22, s19  }
.Ltmp1:
0x66: {  	v1 =	vld [tilespmem:s10+$0x2030];
	v4 =	vadd.f32 v4, v0;
	[tilespmem:s6+$0xA030] =	vst v3;
	(pc) =	sbr.rel @p1 .LBB2_5-.Ltmp1, $4  }
0x67: {  	v3 =	vld [tilespmem:s10+$0x10030]  }
0x68: {  	v0 =	vld [tilespmem:s10+$0x2000];
	[tilespmem:s6+$0xA000] =	vst v4;
	v6 =	vadd.f32 v6, v2  }
0x69: {  	v4 =	vld [tilespmem:s10+$0x10000]  }
0x6a: {  	s17 =	sadd.s32 $0x200, s17;
	s18 =	sadd.s32 $0x8, s18;
	v2 =	vld [tilespmem:s10+$0x2010];
	[tilespmem:s6+$0xA010] =	vst v6;
	v5 =	vadd.f32 v5, v7  }
0x6b: {  	v6 =	vld [tilespmem:s10+$0x10010]  }
0x6c: {  	v7 =	vld [tilespmem:s10+$0x2020]  }
0x6d: {  	v8 =	vld [tilespmem:s10+$0x10020];
	_ =	sdelay $0x1  }
0x6e: {  	v1 =	vadd.f32 v3, v1  }
0x6f: {  	[tilespmem:s6+$0xA020] =	vst v5;
	v0 =	vadd.f32 v4, v0  }
0x70: {  	[tilespmem:s10+$0xA030] =	vst v1;
	v1 =	vadd.f32 v6, v2  }
0x71: {  	[tilespmem:s10+$0xA000] =	vst v0;
	v0 =	vadd.f32 v8, v7  }
0x72: {  	[tilespmem:s10+$0xA010] =	vst v1  }
0x73: {  	[tilespmem:s10+$0xA020] =	vst v0  }
0x74: {  	s0 =	rddreg [dreg:$0xe]  }
0x75: {  	s18 =	simm.s32 $0xA000;
	s6 =	sor.u32 $0x80000, s3;
	s17 =	sadd.s32 s11, s0  }
0x76: {  	[hbm4b:s17+s5] =	stream.linear.scatter [tilespmem:s18], [sflag:$0x6], $0x2000, $0x38;
	[tilespmem:$0x14000] =	vst v63  }
0x77: {  	s20 =	simm.s32 $0x2000;
	s19 =	sadd.s32 s1, s6  }
0x78: {  	[tilespmem:s20], [sflag:$0x2] =	stream.linear.gather [hbm4b:s19+s5], $0x2000, $0x38;
	[tilespmem:$0x14000] =	vst v63  }
0x79: {  	_ =	swait.ge [sflag:s23], $0x2000  }
0x7a: {  	[sflag:s23] =	ssyncset.done $0x0  }
0x7b: {  	s12 =	simm.s32 $0x0;
	s10 =	simm.s32 @!p0 $0x7;
	[sflag:s23] =	ssyncadd.s32 $0xFFFFE000  }
0x7c: {  	s16 =	sand.u32 $0x1C00, s12;
	s17 =	sand.u32 $0x380, s12;
	_ =	swait.ge @!p0 [sflag:s10], $0x2000  }
0x7d: {  	s12 =	sand.u32 $0x40, s12;
	s16 =	sor.u32 s17, s16;
	[sflag:s10] =	ssyncset.done @!p0 $0x0  }
0x7e: {  	[sflag:s10] =	ssyncadd.s32 @!p0 $0xFFFFE000;
	s10 =	sor.u32 s12, s16  }
0x7f: {  	v0 =	vld [tilespmem:s10+$0x4030]  }
0x80: {  	v1 =	vld [tilespmem:s10+$0x10030]  }
0x81: {  	v2 =	vld [tilespmem:s10+$0x4000]  }
0x82: {  	v3 =	vld [tilespmem:s10+$0x10000]  }
0x83: {  	s22 =	simm.s32 $0x200;
	s28 =	simm.s32 $0x8;
	v4 =	vld [tilespmem:s10+$0x4010]  }
0x84: {  	s31 =	sand.u32 $0x380, s28;
	s12 =	sand.u32 $0x1C00, s22;
	s16 =	simm.s32 $0x40;
	v5 =	vld [tilespmem:s10+$0x10010]  }
0x85: {  	s18 =	sand.u32 $0x40, s16;
	s12 =	sor.u32 s31, s12;
	v6 =	vld [tilespmem:s10+$0x4020]  }
0x86: {  	v7 =	vld [tilespmem:s10+$0x10020];
	s12 =	sor.u32 s18, s12  }
0x87: {  	v0 =	vadd.f32 v1, v0;
	v1 =	vld [tilespmem:s12+$0x4030]  }
0x88: {  	v2 =	vadd.f32 v3, v2;
	v3 =	vld [tilespmem:s12+$0x10030]  }
0x89: {  	v5 =	vadd.f32 v5, v4;
	v4 =	vld [tilespmem:s12+$0x10000];
	[tilespmem:s10+$0xC030] =	vst v0  }
0x8a: {  	v0 =	vld [tilespmem:s12+$0x4000];
	[tilespmem:s10+$0xC000] =	vst v2  }
0x8b: {  	s17 =	simm.s32 $0x4;
	s19 =	simm.s32 $0x10;
	s18 =	simm.s32 $0x400;
	v2 =	vld [tilespmem:s12+$0x4010];
	[tilespmem:s10+$0xC010] =	vst v5;
	v5 =	vadd.f32 v7, v6  }
.LBB2_7:
0x8c: {  	s20 =	sand.u32 $0x1C00, s18;
	s22 =	sand.u32 $0x380, s19;
	v6 =	vld [tilespmem:s12+$0x10010];
	s16 =	sadd.s32 $0x40, s16  }
0x8d: {  	s17 =	sadd.s32 $0x4, s17;
	s28 =	sand.u32 $0x40, s16;
	s20 =	sor.u32 s22, s20;
	v7 =	vld [tilespmem:s12+$0x4020];
	v3 =	vadd.f32 v3, v1;
	[tilespmem:s10+$0xC020] =	vst v5  }
0x8e: {  	p1 =	slt.u32 s17, $0x1FC;
	s10 =	smov.u32 s12;
	v5 =	vld [tilespmem:s12+$0x10020];
	s12 =	sor.u32 s28, s20  }
.Ltmp2:
0x8f: {  	v1 =	vld [tilespmem:s12+$0x4030];
	v4 =	vadd.f32 v4, v0;
	[tilespmem:s10+$0xC030] =	vst v3;
	(pc) =	sbr.rel @p1 .LBB2_7-.Ltmp2, $4  }
0x90: {  	v3 =	vld [tilespmem:s12+$0x10030]  }
0x91: {  	v0 =	vld [tilespmem:s12+$0x4000];
	[tilespmem:s10+$0xC000] =	vst v4;
	v6 =	vadd.f32 v6, v2  }
0x92: {  	v4 =	vld [tilespmem:s12+$0x10000]  }
0x93: {  	s18 =	sadd.s32 $0x200, s18;
	s19 =	sadd.s32 $0x8, s19;
	v2 =	vld [tilespmem:s12+$0x4010];
	[tilespmem:s10+$0xC010] =	vst v6;
	v5 =	vadd.f32 v5, v7  }
0x94: {  	v6 =	vld [tilespmem:s12+$0x10010]  }
0x95: {  	v7 =	vld [tilespmem:s12+$0x4020]  }
0x96: {  	v8 =	vld [tilespmem:s12+$0x10020];
	_ =	sdelay $0x1  }
0x97: {  	v1 =	vadd.f32 v3, v1  }
0x98: {  	[tilespmem:s10+$0xC020] =	vst v5;
	v0 =	vadd.f32 v4, v0  }
0x99: {  	[tilespmem:s12+$0xC030] =	vst v1;
	v1 =	vadd.f32 v6, v2  }
0x9a: {  	[tilespmem:s12+$0xC000] =	vst v0;
	v0 =	vadd.f32 v8, v7  }
0x9b: {  	[tilespmem:s12+$0xC010] =	vst v1  }
0x9c: {  	[tilespmem:s12+$0xC020] =	vst v0  }
0x9d: {  	s0 =	rddreg [dreg:$0xf]  }
0x9e: {  	s18 =	simm.s32 $0xC000;
	s10 =	sor.u32 $0x100000, s3;
	s17 =	sadd.s32 s11, s0  }
0x9f: {  	[hbm4b:s17+s5] =	stream.linear.scatter [tilespmem:s18], [sflag:$0x7], $0x2000, $0x38;
	[tilespmem:$0x14000] =	vst v63  }
0xa0: {  	s20 =	simm.s32 $0x4000;
	s19 =	sadd.s32 s1, s10  }
0xa1: {  	[tilespmem:s20], [sflag:$0x3] =	stream.linear.gather [hbm4b:s19+s5], $0x2000, $0x38;
	[tilespmem:$0x14000] =	vst v63  }
0xa2: {  	_ =	swait.ge [sflag:s8], $0x2000  }
0xa3: {  	[sflag:s8] =	ssyncset.done $0x0  }
0xa4: {  	s16 =	simm.s32 $0x0;
	s12 =	simm.s32 @!p0 $0x8;
	[sflag:s8] =	ssyncadd.s32 $0xFFFFE000  }
0xa5: {  	s17 =	sand.u32 $0x1C00, s16;
	s18 =	sand.u32 $0x380, s16;
	_ =	swait.ge @!p0 [sflag:s12], $0x2000  }
0xa6: {  	s16 =	sand.u32 $0x40, s16;
	s17 =	sor.u32 s18, s17;
	[sflag:s12] =	ssyncset.done @!p0 $0x0  }
0xa7: {  	[sflag:s12] =	ssyncadd.s32 @!p0 $0xFFFFE000;
	s12 =	sor.u32 s16, s17  }
0xa8: {  	v0 =	vld [tilespmem:s12+$0x6030]  }
0xa9: {  	v1 =	vld [tilespmem:s12+$0x10030]  }
0xaa: {  	v2 =	vld [tilespmem:s12+$0x6000]  }
0xab: {  	v3 =	vld [tilespmem:s12+$0x10000]  }
0xac: {  	s22 =	simm.s32 $0x200;
	s28 =	simm.s32 $0x8;
	v4 =	vld [tilespmem:s12+$0x6010]  }
0xad: {  	s31 =	sand.u32 $0x380, s28;
	s16 =	sand.u32 $0x1C00, s22;
	s17 =	simm.s32 $0x40;
	v5 =	vld [tilespmem:s12+$0x10010]  }
0xae: {  	s19 =	sand.u32 $0x40, s17;
	s16 =	sor.u32 s31, s16;
	v6 =	vld [tilespmem:s12+$0x6020]  }
0xaf: {  	v7 =	vld [tilespmem:s12+$0x10020];
	s16 =	sor.u32 s19, s16  }
0xb0: {  	v0 =	vadd.f32 v1, v0;
	v1 =	vld [tilespmem:s16+$0x6030]  }
0xb1: {  	v2 =	vadd.f32 v3, v2;
	v3 =	vld [tilespmem:s16+$0x10030]  }
0xb2: {  	v5 =	vadd.f32 v5, v4;
	v4 =	vld [tilespmem:s16+$0x10000];
	[tilespmem:s12+$0xE030] =	vst v0  }
0xb3: {  	v0 =	vld [tilespmem:s16+$0x6000];
	[tilespmem:s12+$0xE000] =	vst v2  }
0xb4: {  	s18 =	simm.s32 $0x4;
	s20 =	simm.s32 $0x10;
	s19 =	simm.s32 $0x400;
	v2 =	vld [tilespmem:s16+$0x6010];
	[tilespmem:s12+$0xE010] =	vst v5;
	v5 =	vadd.f32 v7, v6  }
.LBB2_9:
0xb5: {  	s22 =	sand.u32 $0x1C00, s19;
	s28 =	sand.u32 $0x380, s20;
	v6 =	vld [tilespmem:s16+$0x10010];
	s17 =	sadd.s32 $0x40, s17  }
0xb6: {  	s18 =	sadd.s32 $0x4, s18;
	s31 =	sand.u32 $0x40, s17;
	s22 =	sor.u32 s28, s22;
	v7 =	vld [tilespmem:s16+$0x6020];
	v3 =	vadd.f32 v3, v1;
	[tilespmem:s12+$0xE020] =	vst v5  }
0xb7: {  	p0 =	slt.u32 s18, $0x1FC;
	s12 =	smov.u32 s16;
	v5 =	vld [tilespmem:s16+$0x10020];
	s16 =	sor.u32 s31, s22  }
.Ltmp3:
0xb8: {  	v1 =	vld [tilespmem:s16+$0x6030];
	v4 =	vadd.f32 v4, v0;
	[tilespmem:s12+$0xE030] =	vst v3;
	(pc) =	sbr.rel @p0 .LBB2_9-.Ltmp3, $4  }
0xb9: {  	v3 =	vld [tilespmem:s16+$0x10030]  }
0xba: {  	v0 =	vld [tilespmem:s16+$0x6000];
	[tilespmem:s12+$0xE000] =	vst v4;
	v6 =	vadd.f32 v6, v2  }
0xbb: {  	v4 =	vld [tilespmem:s16+$0x10000]  }
0xbc: {  	s19 =	sadd.s32 $0x200, s19;
	s20 =	sadd.s32 $0x8, s20;
	v2 =	vld [tilespmem:s16+$0x6010];
	[tilespmem:s12+$0xE010] =	vst v6;
	v5 =	vadd.f32 v5, v7  }
0xbd: {  	v6 =	vld [tilespmem:s16+$0x10010]  }
0xbe: {  	v7 =	vld [tilespmem:s16+$0x6020]  }
0xbf: {  	v8 =	vld [tilespmem:s16+$0x10020];
	_ =	sdelay $0x1  }
0xc0: {  	v1 =	vadd.f32 v3, v1  }
0xc1: {  	[tilespmem:s12+$0xE020] =	vst v5;
	v0 =	vadd.f32 v4, v0  }
0xc2: {  	[tilespmem:s16+$0xE030] =	vst v1;
	v1 =	vadd.f32 v6, v2  }
0xc3: {  	[tilespmem:s16+$0xE000] =	vst v0;
	v0 =	vadd.f32 v8, v7  }
0xc4: {  	[tilespmem:s16+$0xE010] =	vst v1  }
0xc5: {  	[tilespmem:s16+$0xE020] =	vst v0  }
0xc6: {  	p0 =	seq.s32 s25, $0x7;
	s0 =	rddreg [dreg:$0x11]  }
0xc7: {  	s12 =	sadd.s32 $0x2, s26;
	s11 =	sadd.s32 s11, s0;
	s0 =	rddreg [dreg:$0x10]  }
0xc8: {  	[hbm4b:s11+s5] =	stream.linear.scatter [tilespmem:s9], [sflag:$0x8], $0x2000, $0x38;
	[tilespmem:$0x14000] =	vst v63  }
0xc9: {  	s11 =	sor.u32 $0x180000, s3;
	s12 =	sadd.s32 @!p0 s0, s12  }
0xca: {  	s18 =	simm.s32 $0x6000;
	s17 =	sadd.s32 s1, s11;
	s28 =	sshll.u32 @!p0 s12, $0xA  }
0xcb: {  	[tilespmem:s18], [sflag:$0x4] =	stream.linear.gather [hbm4b:s17+s5], $0x2000, $0x38;
	[tilespmem:$0x14000] =	vst v63  }
0xcc: {  	s12 =	sand.u32 @!p0 $0x1FFFF800, s28  }
0xcd: {  	s17 =	simm.s32 @!p0 $0x0;
	s18 =	simm.s32 @!p0 $0x10000;
	s16 =	sadd.s32 @!p0 s24, s12  }
0xce: {  	[tilespmem:s18], [sflag:$0x9] =	stream.linear.gather @!p0 [hbm4b:s16+s17], $0x2000, $0x38;
	[tilespmem:$0x14000] =	vst v63  }
0xcf: {  	_ =	swait.ge [sflag:s29], $0x2000  }
0xd0: {  	[sflag:s29] =	ssyncset.done $0x0  }
0xd1: {  	[sflag:s29] =	ssyncadd.s32 $0xFFFFE000  }
0xd2: {  	_ =	swait.ge [sflag:s13], $0x2000  }
0xd3: {  	[sflag:s13] =	ssyncset.done $0x0  }
0xd4: {  	s19 =	simm.s32 $0x0;
	[sflag:s13] =	ssyncadd.s32 $0xFFFFE000  }
0xd5: {  	s20 =	sand.u32 $0x1C00, s19;
	s22 =	sand.u32 $0x380, s19;
	_ =	swait.ge [sflag:s14], $0x2000  }
0xd6: {  	s16 =	sand.u32 $0x40, s19;
	s17 =	sor.u32 s22, s20;
	[sflag:s14] =	ssyncset.done $0x0  }
0xd7: {  	s16 =	sor.u32 s16, s17;
	[sflag:s14] =	ssyncadd.s32 $0xFFFFE000  }
0xd8: {  	v0 =	vld [tilespmem:s16+$0x30]  }
0xd9: {  	v1 =	vld [tilespmem:s16+$0x12030]  }
0xda: {  	v2 =	vld [tilespmem:s16+$0x0]  }
0xdb: {  	v3 =	vld [tilespmem:s16+$0x12000]  }
0xdc: {  	s31 =	simm.s32 $0x8;
	s9 =	smov.u32 s24;
	s24 =	simm.s32 $0x200;
	v4 =	vld [tilespmem:s16+$0x10]  }
0xdd: {  	s19 =	sand.u32 $0x380, s31;
	s18 =	simm.s32 $0x40;
	s17 =	sand.u32 $0x1C00, s24;
	v5 =	vld [tilespmem:s16+$0x12010]  }
0xde: {  	s20 =	sand.u32 $0x40, s18;
	s17 =	sor.u32 s19, s17;
	v6 =	vld [tilespmem:s16+$0x20]  }
0xdf: {  	s17 =	sor.u32 s20, s17;
	v7 =	vld [tilespmem:s16+$0x12020]  }
0xe0: {  	v0 =	vadd.f32 v1, v0;
	v1 =	vld [tilespmem:s17+$0x30]  }
0xe1: {  	v2 =	vadd.f32 v3, v2;
	v3 =	vld [tilespmem:s17+$0x12030]  }
0xe2: {  	v5 =	vadd.f32 v5, v4;
	v4 =	vld [tilespmem:s17+$0x12000];
	[tilespmem:s16+$0x8030] =	vst v0  }
0xe3: {  	s3 =	sadd.s32 s4, s3;
	v0 =	vld [tilespmem:s17+$0x0];
	[tilespmem:s16+$0x8000] =	vst v2  }
0xe4: {  	s22 =	simm.s32 $0x10;
	s19 =	simm.s32 $0x4;
	s20 =	simm.s32 $0x400;
	v2 =	vld [tilespmem:s17+$0x10];
	[tilespmem:s16+$0x8010] =	vst v5;
	v5 =	vadd.f32 v7, v6  }
.LBB2_11:
0xe5: {  	s31 =	sand.u32 $0x1C00, s20;
	s0 =	sand.u32 $0x380, s22;
	v6 =	vld [tilespmem:s17+$0x12010];
	s18 =	sadd.s32 $0x40, s18  }
0xe6: {  	s19 =	sadd.s32 $0x4, s19;
	s24 =	sand.u32 $0x40, s18;
	s0 =	sor.u32 s0, s31;
	v7 =	vld [tilespmem:s17+$0x20];
	v3 =	vadd.f32 v3, v1;
	[tilespmem:s16+$0x8020] =	vst v5  }
0xe7: {  	p1 =	slt.u32 s19, $0x1FC;
	s16 =	smov.u32 s17;
	v5 =	vld [tilespmem:s17+$0x12020];
	s17 =	sor.u32 s24, s0  }
.Ltmp4:
0xe8: {  	v1 =	vld [tilespmem:s17+$0x30];
	v4 =	vadd.f32 v4, v0;
	[tilespmem:s16+$0x8030] =	vst v3;
	(pc) =	sbr.rel @p1 .LBB2_11-.Ltmp4, $4  }
0xe9: {  	v3 =	vld [tilespmem:s17+$0x12030]  }
0xea: {  	v0 =	vld [tilespmem:s17+$0x0];
	[tilespmem:s16+$0x8000] =	vst v4;
	v6 =	vadd.f32 v6, v2  }
0xeb: {  	v4 =	vld [tilespmem:s17+$0x12000]  }
0xec: {  	s20 =	sadd.s32 $0x200, s20;
	s22 =	sadd.s32 $0x8, s22;
	v2 =	vld [tilespmem:s17+$0x10];
	[tilespmem:s16+$0x8010] =	vst v6;
	v5 =	vadd.f32 v5, v7  }
0xed: {  	v6 =	vld [tilespmem:s17+$0x12010]  }
0xee: {  	v7 =	vld [tilespmem:s17+$0x20]  }
0xef: {  	v8 =	vld [tilespmem:s17+$0x12020];
	_ =	sdelay $0x1  }
0xf0: {  	v1 =	vadd.f32 v3, v1  }
0xf1: {  	[tilespmem:s16+$0x8020] =	vst v5;
	v0 =	vadd.f32 v4, v0  }
0xf2: {  	[tilespmem:s17+$0x8030] =	vst v1;
	v1 =	vadd.f32 v6, v2  }
0xf3: {  	[tilespmem:s17+$0x8000] =	vst v0;
	v0 =	vadd.f32 v8, v7  }
0xf4: {  	[tilespmem:s17+$0x8010] =	vst v1  }
0xf5: {  	s31 =	simm.s32 $0x8000;
	[tilespmem:s17+$0x8020] =	vst v0  }
0xf6: {  	[hbm4b:s3+s5] =	stream.linear.scatter [tilespmem:s31], [sflag:$0x5], $0x2000, $0x38;
	[tilespmem:$0x14000] =	vst v63  }
0xf7: {  	s0 =	sadd.s32 @!p0 s1, s12;
	s3 =	simm.s32 @!p0 $0x0  }
0xf8: {  	[tilespmem:s3], [sflag:$0x1] =	stream.linear.gather @!p0 [hbm4b:s0+s3], $0x2000, $0x38;
	[tilespmem:$0x14000] =	vst v63  }
0xf9: {  	_ =	swait.ge [sflag:s2], $0x2000  }
0xfa: {  	[sflag:s2] =	ssyncset.done $0x0  }
0xfb: {  	s17 =	simm.s32 $0x0;
	[sflag:s2] =	ssyncadd.s32 $0xFFFFE000  }
0xfc: {  	s18 =	sand.u32 $0x1C00, s17;
	s19 =	sand.u32 $0x380, s17;
	_ =	swait.ge [sflag:s15], $0x2000  }
0xfd: {  	s0 =	sand.u32 $0x40, s17;
	s3 =	sor.u32 s19, s18;
	[sflag:s15] =	ssyncset.done $0x0  }
0xfe: {  	s3 =	sor.u32 s0, s3;
	[sflag:s15] =	ssyncadd.s32 $0xFFFFE000  }
0xff: {  	v0 =	vld [tilespmem:s3+$0x2030]  }
0x100: {  	v1 =	vld [tilespmem:s3+$0x12030]  }
0x101: {  	v2 =	vld [tilespmem:s3+$0x2000]  }
0x102: {  	v3 =	vld [tilespmem:s3+$0x12000]  }
0x103: {  	s20 =	simm.s32 $0x200;
	s22 =	simm.s32 $0x8;
	v4 =	vld [tilespmem:s3+$0x2010]  }
0x104: {  	s12 =	sand.u32 $0x380, s22;
	s16 =	simm.s32 $0x40;
	s0 =	sand.u32 $0x1C00, s20;
	v5 =	vld [tilespmem:s3+$0x12010]  }
0x105: {  	s24 =	sand.u32 $0x40, s16;
	s0 =	sor.u32 s12, s0;
	v6 =	vld [tilespmem:s3+$0x2020]  }
0x106: {  	s12 =	sor.u32 s24, s0;
	v7 =	vld [tilespmem:s3+$0x12020]  }
0x107: {  	v0 =	vadd.f32 v1, v0;
	v1 =	vld [tilespmem:s12+$0x2030]  }
0x108: {  	v2 =	vadd.f32 v3, v2;
	v3 =	vld [tilespmem:s12+$0x12030]  }
0x109: {  	v5 =	vadd.f32 v5, v4;
	v4 =	vld [tilespmem:s12+$0x12000];
	[tilespmem:s3+$0xA030] =	vst v0  }
0x10a: {  	s25 =	sadd.s32 $0x1, s25;
	s6 =	sadd.s32 s4, s6;
	v0 =	vld [tilespmem:s12+$0x2000];
	[tilespmem:s3+$0xA000] =	vst v2  }
0x10b: {  	s17 =	simm.s32 $0x4;
	s18 =	simm.s32 $0x400;
	s19 =	simm.s32 $0x10;
	v2 =	vld [tilespmem:s12+$0x2010];
	[tilespmem:s3+$0xA010] =	vst v5;
	v5 =	vadd.f32 v7, v6  }
.LBB2_13:
0x10c: {  	s0 =	sand.u32 $0x1C00, s18;
	s20 =	sand.u32 $0x380, s19;
	v6 =	vld [tilespmem:s12+$0x12010];
	s16 =	sadd.s32 $0x40, s16  }
0x10d: {  	s17 =	sadd.s32 $0x4, s17;
	s22 =	sand.u32 $0x40, s16;
	s0 =	sor.u32 s20, s0;
	v7 =	vld [tilespmem:s12+$0x2020];
	v3 =	vadd.f32 v3, v1;
	[tilespmem:s3+$0xA020] =	vst v5  }
0x10e: {  	p1 =	slt.u32 s17, $0x1FC;
	s3 =	smov.u32 s12;
	v5 =	vld [tilespmem:s12+$0x12020];
	s12 =	sor.u32 s22, s0  }
.Ltmp5:
0x10f: {  	v1 =	vld [tilespmem:s12+$0x2030];
	v4 =	vadd.f32 v4, v0;
	[tilespmem:s3+$0xA030] =	vst v3;
	(pc) =	sbr.rel @p1 .LBB2_13-.Ltmp5, $4  }
0x110: {  	v3 =	vld [tilespmem:s12+$0x12030]  }
0x111: {  	v0 =	vld [tilespmem:s12+$0x2000];
	[tilespmem:s3+$0xA000] =	vst v4;
	v6 =	vadd.f32 v6, v2  }
0x112: {  	v4 =	vld [tilespmem:s12+$0x12000]  }
0x113: {  	s18 =	sadd.s32 $0x200, s18;
	s19 =	sadd.s32 $0x8, s19;
	v2 =	vld [tilespmem:s12+$0x2010];
	[tilespmem:s3+$0xA010] =	vst v6;
	v5 =	vadd.f32 v5, v7  }
0x114: {  	v6 =	vld [tilespmem:s12+$0x12010]  }
0x115: {  	v7 =	vld [tilespmem:s12+$0x2020]  }
0x116: {  	v8 =	vld [tilespmem:s12+$0x12020];
	_ =	sdelay $0x1  }
0x117: {  	v1 =	vadd.f32 v3, v1  }
0x118: {  	[tilespmem:s3+$0xA020] =	vst v5;
	v0 =	vadd.f32 v4, v0  }
0x119: {  	[tilespmem:s12+$0xA030] =	vst v1;
	v1 =	vadd.f32 v6, v2  }
0x11a: {  	[tilespmem:s12+$0xA000] =	vst v0;
	v0 =	vadd.f32 v8, v7  }
0x11b: {  	[tilespmem:s12+$0xA010] =	vst v1  }
0x11c: {  	s0 =	simm.s32 $0xA000;
	[tilespmem:s12+$0xA020] =	vst v0  }
0x11d: {  	[hbm4b:s6+s5] =	stream.linear.scatter [tilespmem:s0], [sflag:$0x6], $0x2000, $0x38;
	[tilespmem:$0x14000] =	vst v63  }
0x11e: {  	s0 =	rddreg [dreg:$0x8]  }
0x11f: {  	s3 =	simm.s32 @!p0 $0x0;
	s6 =	simm.s32 @!p0 $0x2000;
	s0 =	sadd.s32 @!p0 s28, s0  }
0x120: {  	[tilespmem:s6], [sflag:$0x2] =	stream.linear.gather @!p0 [hbm4b:s0+s3], $0x2000, $0x38;
	[tilespmem:$0x14000] =	vst v63  }
0x121: {  	_ =	swait.ge [sflag:s23], $0x2000  }
0x122: {  	[sflag:s23] =	ssyncset.done $0x0  }
0x123: {  	s18 =	simm.s32 $0x0;
	[sflag:s23] =	ssyncadd.s32 $0xFFFFE000  }
0x124: {  	s19 =	sand.u32 $0x1C00, s18;
	s20 =	sand.u32 $0x380, s18;
	_ =	swait.ge [sflag:s21], $0x2000  }
0x125: {  	s0 =	sand.u32 $0x40, s18;
	s3 =	sor.u32 s20, s19;
	[sflag:s21] =	ssyncset.done $0x0  }
0x126: {  	s3 =	sor.u32 s0, s3;
	[sflag:s21] =	ssyncadd.s32 $0xFFFFE000  }
0x127: {  	v0 =	vld [tilespmem:s3+$0x4030]  }
0x128: {  	v1 =	vld [tilespmem:s3+$0x12030]  }
0x129: {  	v2 =	vld [tilespmem:s3+$0x4000]  }
0x12a: {  	v3 =	vld [tilespmem:s3+$0x12000]  }
0x12b: {  	s22 =	simm.s32 $0x200;
	s24 =	simm.s32 $0x8;
	v4 =	vld [tilespmem:s3+$0x4010]  }
0x12c: {  	s12 =	simm.s32 $0x40;
	s6 =	sand.u32 $0x380, s24;
	s0 =	sand.u32 $0x1C00, s22;
	v5 =	vld [tilespmem:s3+$0x12010]  }
0x12d: {  	s16 =	sand.u32 $0x40, s12;
	s0 =	sor.u32 s6, s0;
	v6 =	vld [tilespmem:s3+$0x4020]  }
0x12e: {  	s6 =	sor.u32 s16, s0;
	v7 =	vld [tilespmem:s3+$0x12020]  }
0x12f: {  	v0 =	vadd.f32 v1, v0;
	v1 =	vld [tilespmem:s6+$0x4030]  }
0x130: {  	v2 =	vadd.f32 v3, v2;
	v3 =	vld [tilespmem:s6+$0x12030]  }
0x131: {  	v5 =	vadd.f32 v5, v4;
	v4 =	vld [tilespmem:s6+$0x12000];
	[tilespmem:s3+$0xC030] =	vst v0  }
0x132: {  	s10 =	sadd.s32 s4, s10;
	v0 =	vld [tilespmem:s6+$0x4000];
	[tilespmem:s3+$0xC000] =	vst v2  }
0x133: {  	s17 =	simm.s32 $0x400;
	s18 =	simm.s32 $0x10;
	s16 =	simm.s32 $0x4;
	v2 =	vld [tilespmem:s6+$0x4010];
	[tilespmem:s3+$0xC010] =	vst v5;
	v5 =	vadd.f32 v7, v6  }
.LBB2_15:
0x134: {  	s0 =	sand.u32 $0x1C00, s17;
	s19 =	sand.u32 $0x380, s18;
	v6 =	vld [tilespmem:s6+$0x12010];
	s12 =	sadd.s32 $0x40, s12  }
0x135: {  	s16 =	sadd.s32 $0x4, s16;
	s20 =	sand.u32 $0x40, s12;
	s0 =	sor.u32 s19, s0;
	v7 =	vld [tilespmem:s6+$0x4020];
	v3 =	vadd.f32 v3, v1;
	[tilespmem:s3+$0xC020] =	vst v5  }
0x136: {  	p1 =	slt.u32 s16, $0x1FC;
	s3 =	smov.u32 s6;
	v5 =	vld [tilespmem:s6+$0x12020];
	s6 =	sor.u32 s20, s0  }
.Ltmp6:
0x137: {  	v1 =	vld [tilespmem:s6+$0x4030];
	v4 =	vadd.f32 v4, v0;
	[tilespmem:s3+$0xC030] =	vst v3;
	(pc) =	sbr.rel @p1 .LBB2_15-.Ltmp6, $4  }
0x138: {  	v3 =	vld [tilespmem:s6+$0x12030]  }
0x139: {  	v0 =	vld [tilespmem:s6+$0x4000];
	[tilespmem:s3+$0xC000] =	vst v4;
	v6 =	vadd.f32 v6, v2  }
0x13a: {  	v4 =	vld [tilespmem:s6+$0x12000]  }
0x13b: {  	s17 =	sadd.s32 $0x200, s17;
	s18 =	sadd.s32 $0x8, s18;
	v2 =	vld [tilespmem:s6+$0x4010];
	[tilespmem:s3+$0xC010] =	vst v6;
	v5 =	vadd.f32 v5, v7  }
0x13c: {  	v6 =	vld [tilespmem:s6+$0x12010]  }
0x13d: {  	v7 =	vld [tilespmem:s6+$0x4020]  }
0x13e: {  	v8 =	vld [tilespmem:s6+$0x12020];
	_ =	sdelay $0x1  }
0x13f: {  	v1 =	vadd.f32 v3, v1  }
0x140: {  	[tilespmem:s3+$0xC020] =	vst v5;
	v0 =	vadd.f32 v4, v0  }
0x141: {  	[tilespmem:s6+$0xC030] =	vst v1;
	v1 =	vadd.f32 v6, v2  }
0x142: {  	[tilespmem:s6+$0xC000] =	vst v0;
	v0 =	vadd.f32 v8, v7  }
0x143: {  	[tilespmem:s6+$0xC010] =	vst v1  }
0x144: {  	s0 =	simm.s32 $0xC000;
	[tilespmem:s6+$0xC020] =	vst v0  }
0x145: {  	[hbm4b:s10+s5] =	stream.linear.scatter [tilespmem:s0], [sflag:$0x7], $0x2000, $0x38;
	[tilespmem:$0x14000] =	vst v63  }
0x146: {  	s0 =	rddreg [dreg:$0x9]  }
0x147: {  	s3 =	simm.s32 @!p0 $0x0;
	s6 =	simm.s32 @!p0 $0x4000;
	s0 =	sadd.s32 @!p0 s28, s0  }
0x148: {  	[tilespmem:s6], [sflag:$0x3] =	stream.linear.gather @!p0 [hbm4b:s0+s3], $0x2000, $0x38;
	[tilespmem:$0x14000] =	vst v63  }
0x149: {  	_ =	swait.ge [sflag:s8], $0x2000  }
0x14a: {  	[sflag:s8] =	ssyncset.done $0x0  }
0x14b: {  	s17 =	simm.s32 $0x0;
	[sflag:s8] =	ssyncadd.s32 $0xFFFFE000  }
0x14c: {  	s18 =	sand.u32 $0x1C00, s17;
	s19 =	sand.u32 $0x380, s17;
	_ =	swait.ge [sflag:s7], $0x2000  }
0x14d: {  	s0 =	sand.u32 $0x40, s17;
	s3 =	sor.u32 s19, s18;
	[sflag:s7] =	ssyncset.done $0x0  }
0x14e: {  	s3 =	sor.u32 s0, s3;
	[sflag:s7] =	ssyncadd.s32 $0xFFFFE000  }
0x14f: {  	v0 =	vld [tilespmem:s3+$0x6030]  }
0x150: {  	v1 =	vld [tilespmem:s3+$0x12030]  }
0x151: {  	v2 =	vld [tilespmem:s3+$0x6000]  }
0x152: {  	v3 =	vld [tilespmem:s3+$0x12000]  }
0x153: {  	s20 =	simm.s32 $0x200;
	s22 =	simm.s32 $0x8;
	v4 =	vld [tilespmem:s3+$0x6010]  }
0x154: {  	s12 =	simm.s32 $0x40;
	s6 =	sand.u32 $0x380, s22;
	s0 =	sand.u32 $0x1C00, s20;
	v5 =	vld [tilespmem:s3+$0x12010]  }
0x155: {  	s24 =	sand.u32 $0x40, s12;
	s0 =	sor.u32 s6, s0;
	v6 =	vld [tilespmem:s3+$0x6020]  }
0x156: {  	s6 =	sor.u32 s24, s0;
	v7 =	vld [tilespmem:s3+$0x12020]  }
0x157: {  	v0 =	vadd.f32 v1, v0;
	v1 =	vld [tilespmem:s6+$0x6030]  }
0x158: {  	v2 =	vadd.f32 v3, v2;
	v3 =	vld [tilespmem:s6+$0x12030]  }
0x159: {  	v5 =	vadd.f32 v5, v4;
	v4 =	vld [tilespmem:s6+$0x12000];
	[tilespmem:s3+$0xE030] =	vst v0  }
0x15a: {  	s16 =	simm.s32 $0x400;
	s10 =	sadd.s32 s4, s11;
	v0 =	vld [tilespmem:s6+$0x6000];
	[tilespmem:s3+$0xE000] =	vst v2  }
0x15b: {  	s11 =	simm.s32 $0x4;
	s17 =	simm.s32 $0x10;
	s24 =	smov.u32 s9;
	v2 =	vld [tilespmem:s6+$0x6010];
	[tilespmem:s3+$0xE010] =	vst v5;
	v5 =	vadd.f32 v7, v6  }
.LBB2_17:
0x15c: {  	s0 =	sand.u32 $0x1C00, s16;
	s18 =	sand.u32 $0x380, s17;
	v6 =	vld [tilespmem:s6+$0x12010];
	s12 =	sadd.s32 $0x40, s12  }
0x15d: {  	s11 =	sadd.s32 $0x4, s11;
	s19 =	sand.u32 $0x40, s12;
	s0 =	sor.u32 s18, s0;
	v7 =	vld [tilespmem:s6+$0x6020];
	v3 =	vadd.f32 v3, v1;
	[tilespmem:s3+$0xE020] =	vst v5  }
0x15e: {  	p1 =	slt.u32 s11, $0x1FC;
	s3 =	smov.u32 s6;
	v5 =	vld [tilespmem:s6+$0x12020];
	s6 =	sor.u32 s19, s0  }
.Ltmp7:
0x15f: {  	v1 =	vld [tilespmem:s6+$0x6030];
	v4 =	vadd.f32 v4, v0;
	[tilespmem:s3+$0xE030] =	vst v3;
	(pc) =	sbr.rel @p1 .LBB2_17-.Ltmp7, $4  }
0x160: {  	v3 =	vld [tilespmem:s6+$0x12030]  }
0x161: {  	v0 =	vld [tilespmem:s6+$0x6000];
	[tilespmem:s3+$0xE000] =	vst v4;
	v6 =	vadd.f32 v6, v2  }
0x162: {  	v4 =	vld [tilespmem:s6+$0x12000]  }
0x163: {  	s16 =	sadd.s32 $0x200, s16;
	s17 =	sadd.s32 $0x8, s17;
	v2 =	vld [tilespmem:s6+$0x6010];
	[tilespmem:s3+$0xE010] =	vst v6;
	v5 =	vadd.f32 v5, v7  }
0x164: {  	v6 =	vld [tilespmem:s6+$0x12010]  }
0x165: {  	v7 =	vld [tilespmem:s6+$0x6020]  }
0x166: {  	v8 =	vld [tilespmem:s6+$0x12020];
	_ =	sdelay $0x1  }
0x167: {  	v1 =	vadd.f32 v3, v1  }
0x168: {  	[tilespmem:s3+$0xE020] =	vst v5;
	v0 =	vadd.f32 v4, v0  }
0x169: {  	[tilespmem:s6+$0xE030] =	vst v1;
	v62 =	vadd.f32 v6, v2  }
0x16a: {  	[tilespmem:s6+$0xE000] =	vst v0;
	v63 =	vadd.f32 v8, v7  }
0x16b: {  	[tilespmem:s6+$0xE010] =	vst v62  }
0x16c: {  	s9 =	simm.s32 $0xE000;
	[tilespmem:s6+$0xE020] =	vst v63  }
0x16d: {  	[hbm4b:s10+s5] =	stream.linear.scatter [tilespmem:s9], [sflag:$0x8], $0x2000, $0x38;
	[tilespmem:$0x14000] =	vst v63  }
0x16e: {  	s0 =	rddreg [dreg:$0xa]  }
0x16f: {  	s3 =	simm.s32 @!p0 $0x0;
	s6 =	simm.s32 @!p0 $0x6000;
	s0 =	sadd.s32 @!p0 s28, s0  }
0x170: {  	[tilespmem:s6], [sflag:$0x4] =	stream.linear.gather @!p0 [hbm4b:s0+s3], $0x2000, $0x38;
	[tilespmem:$0x14000] =	vst v63  }
0x171: {  	s0 =	rddreg [dreg:$0x12]  }
0x172: {  	s0 =	sadd.s32 @!p0 s26, s0  }
0x173: {  	s0 =	sshll.u32 @!p0 s0, $0xA  }
0x174: {  	p1 =	sne.s32 @!p0 s25, $0x8;
	s6 =	simm.s32 @!p0 $0x12000;
	s0 =	sadd.s32 @!p0 s24, s0  }
0x175: {  	[tilespmem:s6], [sflag:$0xA] =	stream.linear.gather @!p0 [hbm4b:s0+s3], $0x2000, $0x38;
	[tilespmem:$0x14000] =	vst v63  }
0x176: {  	p0 =	por p0, !p1  }
.Ltmp8:
0x177: {  	_ = 	snop;
	(pc) =	sbr.rel @!p0 .LBB2_2-.Ltmp8, $1  }
0x178: {  	_ =	sdelay $0x3  }
0x179: {  	_ =	swait.ge [sflag:s14], $0x2000  }
0x17a: {  	[sflag:s14] =	ssyncset.done $0x0  }
0x17b: {  	[sflag:s14] =	ssyncadd.s32 $0xFFFFE000  }
0x17c: {  	_ =	swait.ge [sflag:s15], $0x2000  }
0x17d: {  	[sflag:s15] =	ssyncset.done $0x0  }
0x17e: {  	[sflag:s15] =	ssyncadd.s32 $0xFFFFE000  }
0x17f: {  	_ =	swait.ge [sflag:s21], $0x2000  }
0x180: {  	[sflag:s21] =	ssyncset.done $0x0  }
0x181: {  	[sflag:s21] =	ssyncadd.s32 $0xFFFFE000  }
0x182: {  	_ =	swait.ge [sflag:s7], $0x2000  }
0x183: {  	s3 =	rddreg [dreg:$0x15]  }
0x184: {  	s0 =	rddreg [dreg:$0x13];
	s3 =	sadd.s32 $0x1, s3  }
0x185: {  	p0 =	sne.s32 s3, s0  }
.Ltmp9:
0x186: {  	_ = 	snop;
	(pc) =	sbr.rel @p0 .LBB2_1-.Ltmp9, $3  }
0x187: {  	_ =	sdelay $0x1  }
0x188: {  	[sflag:s7] =	ssyncset.done $0x0  }
0x189: {  	[sflag:s7] =	ssyncadd.s32 $0xFFFFE000  }
0x18a: {  	_ =	sfence.sel $0x180000  }
0x18b: {  	[bflag:$0x0] =	sbarrier.arrive $0xFFFF  }
0x18c: {  	_ =	strace $0x90000047  }
0x18d: {  	s0 =	stileid.u32;
	[bflag:$0x2] =	sbarrier.arrive $0xFFFF  }
0x18e: {  	p0 =	sne.s32 s0, $0x0;
	s0 =	rddreg [dreg:$0x3]  }
0x18f: {  	s0 =	sadd.s32 @!p0 $0x100000, s0  }
0x190: {  	[sflag:s0] =	ssyncadd.tile.s32 @!p0 $0x1;
	_ =	shalt  }
.Lfunc_end2:
_tile_overlayer_lowered:
.L_overlay_start_2:
0x191: {  	(tag) =	ssettag $0x2  }
0x192: {  	s0 =	rddreg [dreg:$0x0];
	s2 =	stileid.u32  }
0x193: {  	s1 =	rddreg [dreg:$0x1];
	p0 =	sne.s32 s2, $0x0  }
0x194: {  	s3 =	rddreg [dreg:$0x2];
	[bflag:$0x3] =	sbarrier.arrive $0xFFFF;
	s2 =	simm.s32 @!p0 $0x1C0B  }
0x195: {  	[timem:s3], [sflag:s2] =	dma.local @!p0 [hbm:s0], s1  }
0x196: {  	s0 =	simm.s32 @!p0 $0xB  }
0x197: {  	_ =	swait.ge @!p0 [sflag:s0], s1  }
0x198: {  	s1 =	ssub.s32 @!p0 $0x0, s1;
	[sflag:s0] =	ssyncset.done @!p0 $0x0  }
0x199: {  	[sflag:s0] =	ssyncadd.s32 @!p0 s1  }
0x19a: {  	[bflag:$0x3] =	sbarrier.arrive $0xFFFF  }
0x19b: {  	_ =	shalt  }

</sc_bundles>
